<compile_context>
chip_gen: v7x
topology: tpu7x:2x2x1
jax: 0.10.2.dev20260603
libtpu: 0.0.44.dev20260713+nightly
codegen_flags: <defaults>
</compile_context>

<pallas_src>
import functools

import jax
import jax.numpy as jnp
from jax import lax
from jax.experimental import pallas as pl
from jax.experimental.pallas import tpu as pltpu
from jax.experimental.pallas import tpu_sc as plsc

B = 128
S = 512
D = 768
L = 16
NC = 2
NS = 16
NW = NC * NS
P_PER_W = S // NW
DV = D // L

_MAGIC = 0x5F3759DF


def _rsqrt_newton(x):
    i = plsc.bitcast(x, jnp.int32)
    y = plsc.bitcast(_MAGIC - (i >> 1), jnp.float32)
    for _ in range(3):
        y = y * (1.5 - 0.5 * x * y * y)
    return y


def _body(word_hbm, x_hbm, pos_hbm, gamma_hbm, beta_hbm, out_hbm,
          pos_v, g_v, bb_v, idx_v, rows_v, gsem):
    wid = lax.axis_index("s") * NC + lax.axis_index("c")
    p0 = wid * P_PER_W

    pltpu.sync_copy(pos_hbm.at[pl.ds(p0, P_PER_W)], pos_v)
    pltpu.sync_copy(gamma_hbm, g_v)
    pltpu.sync_copy(beta_hbm, bb_v)

    @pl.loop(0, B)
    def _batch(b):
        base = b * S + p0
        pltpu.sync_copy(x_hbm.at[pl.ds(base, P_PER_W)], idx_v)
        pltpu.async_copy(word_hbm.at[idx_v], rows_v, gsem).wait()

        @pl.loop(0, P_PER_W)
        def _row(r):
            sum_v = jnp.zeros((L,), jnp.float32)
            sq_v = jnp.zeros((L,), jnp.float32)
            for j in range(DV):
                sl = pl.ds(j * L, L)
                e = rows_v[r, sl] + pos_v[r, sl]
                rows_v[r, sl] = e
                sum_v = sum_v + e
                sq_v = sq_v + e * e
            mean = jnp.sum(sum_v) * (1.0 / D)
            var = jnp.sum(sq_v) * (1.0 / D) - mean * mean
            inv_v = _rsqrt_newton(jnp.full((L,), var + 1e-12, jnp.float32))
            mean_v = jnp.full((L,), mean, jnp.float32)
            for j in range(DV):
                sl = pl.ds(j * L, L)
                e = rows_v[r, sl]
                rows_v[r, sl] = (e - mean_v) * inv_v * g_v[sl] + bb_v[sl]

        pltpu.sync_copy(rows_v, out_hbm.at[pl.ds(base, P_PER_W)])


@functools.partial(
    pl.kernel,
    out_type=jax.ShapeDtypeStruct((B * S, D), jnp.float32),
    mesh=plsc.VectorSubcoreMesh(core_axis_name="c", subcore_axis_name="s",
                                num_cores=NC, num_subcores=NS),
    compiler_params=pltpu.CompilerParams(needs_layout_passes=False),
    scratch_types=[
        pltpu.VMEM((P_PER_W, D), jnp.float32),
        pltpu.VMEM((D,), jnp.float32),
        pltpu.VMEM((D,), jnp.float32),
        pltpu.VMEM((P_PER_W,), jnp.int32),
        pltpu.VMEM((P_PER_W, D), jnp.float32),
        pltpu.SemaphoreType.DMA,
    ],
)
def _emb_ln(word_hbm, x_hbm, pos_hbm, gamma_hbm, beta_hbm, out_hbm,
            pos_v, g_v, bb_v, idx_v, rows_v, gsem):
    _body(word_hbm, x_hbm, pos_hbm, gamma_hbm, beta_hbm, out_hbm,
          pos_v, g_v, bb_v, idx_v, rows_v, gsem)


def kernel(x, word_table, pos_table, gamma, beta):
    xf = x.reshape(-1).astype(jnp.int32)
    out = _emb_ln(word_table, xf, pos_table, gamma, beta)
    return out.reshape(B, S, D)

# --- scband reference (transcript-rebuilt; emitter-appended) ---
"""Pipeline reference for scband-embedding-layer-45612552684064 (READ-ONLY COPY).

The authoritative reference and input builder live on the scoring server;
editing this copy changes nothing except your own understanding.
"""

import jax, jax.numpy as jnp
import numpy as np

VOCAB = 30522
EMBED = 768
MAX_SEQ = 512
BATCH = 128
SEQ = 512


def setup_inputs(seed: int = 0) -> dict:
    key = jax.random.key(seed)
    k1, k2, k3 = jax.random.split(key, 3)
    x = jax.random.randint(k1, (BATCH, SEQ), 0, VOCAB, dtype=jnp.int64 if jax.config.jax_enable_x64 else jnp.int32)
    word_table = jax.random.normal(k2, (VOCAB, EMBED), dtype=jnp.float32) * 0.02
    pos_table = jax.random.normal(k3, (MAX_SEQ, EMBED), dtype=jnp.float32) * 0.02
    gamma = jnp.ones((EMBED,), dtype=jnp.float32)
    beta = jnp.zeros((EMBED,), dtype=jnp.float32)
    return {"x": x, "word_table": word_table, "pos_table": pos_table, "gamma": gamma, "beta": beta}


def reference(x, word_table, pos_table, gamma, beta):
    # word embedding gather
    word_embeds = jnp.take(word_table, x, axis=0)  # [B, S, D]
    # position embedding gather (positions 0..S-1, broadcast over batch)
    seq_len = x.shape[1]
    positions = jnp.arange(seq_len)
    position_embeds = jnp.take(pos_table, positions, axis=0)[None, :, :]  # [1, S, D]
    embeddings = word_embeds + position_embeds
    # LayerNorm with eps=1e-12 (biased variance, matching torch LayerNorm)
    mean = jnp.mean(embeddings, axis=-1, keepdims=True)
    var = jnp.mean(jnp.square(embeddings - mean), axis=-1, keepdims=True)
    normed = (embeddings - mean) / jnp.sqrt(var + 1e-12)
    out = normed * gamma + beta
    # dropout is identity in eval / deterministic reference
    return out

if __name__ == "__main__":
    import jax
    _d = setup_inputs()
    print(jax.jit(kernel)(*tuple(_d.values())))

</pallas_src>

<mosaic_0001>
#map = affine_map<(d0, d1) -> (0, 0)>
#map1 = affine_map<(d0, d1) -> (0)>
module attributes {stable_mosaic.version = 14 : i64} {
  func.func @_emb_ln(%arg0: i32, %arg1: i32, %arg2: memref<30522x768xf32, #tpu.memory_space<hbm>>, %arg3: memref<65536xi32, #tpu.memory_space<hbm>>, %arg4: memref<512x768xf32, #tpu.memory_space<hbm>>, %arg5: memref<768xf32, #tpu.memory_space<hbm>>, %arg6: memref<768xf32, #tpu.memory_space<hbm>>, %arg7: memref<65536x768xf32, #tpu.memory_space<hbm>>, %arg8: memref<16x768xf32, #tpu.memory_space<vmem>>, %arg9: memref<768xf32, #tpu.memory_space<vmem>>, %arg10: memref<768xf32, #tpu.memory_space<vmem>>, %arg11: memref<16xi32, #tpu.memory_space<vmem>>, %arg12: memref<16x768xf32, #tpu.memory_space<vmem>>, %arg13: memref<!tpu.dma_semaphore, #tpu.memory_space<semaphore_mem>>) attributes {dimension_semantics = [#tpu.dimension_semantics<core_parallel>, #tpu.dimension_semantics<subcore_parallel>], iteration_bounds = array<i64: 2, 16>, scalar_prefetch = 0 : i64, scratch_operands = 6 : i64, tpu.core_type = #tpu.core_type<sc_vector_subcore>, window_params = [{transform_indices = #map}, {transform_indices = #map1}, {transform_indices = #map}, {transform_indices = #map1}, {transform_indices = #map1}, {transform_indices = #map}]} {
    %mul3A = arith.constant 2 : i32
    %mul3A_0 = arith.muli %arg1, %mul3A : i32
    %add3A = arith.addi %mul3A_0, %arg0 : i32
    %mul3A_1 = arith.constant 16 : i32
    %mul3A_2 = arith.muli %add3A, %mul3A_1 : i32
    "tpu.region"() ({
      %run_scoped3A = tpu.sem_alloc : memref<!tpu.dma_semaphore, #tpu.memory_space<semaphore_mem>>
      %dma_start3A = arith.constant 0 : i32
      %dma_start3A_7 = tpu.memref_slice %arg4[%mul3A_2, %dma_start3A] : memref<512x768xf32, #tpu.memory_space<hbm>> -> memref<16x768xf32, #tpu.memory_space<hbm>>
      %dma_start3A_8 = arith.constant 0 : i32
      %dma_start3A_9 = tpu.memref_slice %arg4[%mul3A_2, %dma_start3A_8] : memref<512x768xf32, #tpu.memory_space<hbm>> -> memref<16x768xf32, #tpu.memory_space<hbm>>
      tpu.enqueue_dma source(%dma_start3A_9 : memref<16x768xf32, #tpu.memory_space<hbm>>) target(%arg8 : memref<16x768xf32, #tpu.memory_space<vmem>>) target_semaphore(%run_scoped3A : memref<!tpu.dma_semaphore, #tpu.memory_space<semaphore_mem>>)
      %dma_wait3A = arith.constant 0 : i32
      %dma_wait3A_10 = tpu.memref_slice %arg4[%mul3A_2, %dma_wait3A] : memref<512x768xf32, #tpu.memory_space<hbm>> -> memref<16x768xf32, #tpu.memory_space<hbm>>
      %dma_wait3A_11 = arith.constant 0 : i32
      %dma_wait3A_12 = tpu.memref_slice %arg4[%mul3A_2, %dma_wait3A_11] : memref<512x768xf32, #tpu.memory_space<hbm>> -> memref<16x768xf32, #tpu.memory_space<hbm>>
      tpu.wait_dma2 semaphore(%run_scoped3A : memref<!tpu.dma_semaphore, #tpu.memory_space<semaphore_mem>>) src(%dma_wait3A_12 : memref<16x768xf32, #tpu.memory_space<hbm>>) dst(%arg8 : memref<16x768xf32, #tpu.memory_space<vmem>>)
      tpu.yield
    }) : () -> ()
    "tpu.region"() ({
      %run_scoped3A = tpu.sem_alloc : memref<!tpu.dma_semaphore, #tpu.memory_space<semaphore_mem>>
      tpu.enqueue_dma source(%arg5 : memref<768xf32, #tpu.memory_space<hbm>>) target(%arg9 : memref<768xf32, #tpu.memory_space<vmem>>) target_semaphore(%run_scoped3A : memref<!tpu.dma_semaphore, #tpu.memory_space<semaphore_mem>>)
      tpu.wait_dma2 semaphore(%run_scoped3A : memref<!tpu.dma_semaphore, #tpu.memory_space<semaphore_mem>>) src(%arg5 : memref<768xf32, #tpu.memory_space<hbm>>) dst(%arg9 : memref<768xf32, #tpu.memory_space<vmem>>)
      tpu.yield
    }) : () -> ()
    "tpu.region"() ({
      %run_scoped3A = tpu.sem_alloc : memref<!tpu.dma_semaphore, #tpu.memory_space<semaphore_mem>>
      tpu.enqueue_dma source(%arg6 : memref<768xf32, #tpu.memory_space<hbm>>) target(%arg10 : memref<768xf32, #tpu.memory_space<vmem>>) target_semaphore(%run_scoped3A : memref<!tpu.dma_semaphore, #tpu.memory_space<semaphore_mem>>)
      tpu.wait_dma2 semaphore(%run_scoped3A : memref<!tpu.dma_semaphore, #tpu.memory_space<semaphore_mem>>) src(%arg6 : memref<768xf32, #tpu.memory_space<hbm>>) dst(%arg10 : memref<768xf32, #tpu.memory_space<vmem>>)
      tpu.yield
    }) : () -> ()
    %scan3A = arith.constant 0 : i32
    %scan3A_3 = arith.constant 128 : i32
    %scan3A_4 = arith.addi %scan3A, %scan3A_3 : i32
    %scan3A_5 = arith.constant 1 : i32
    scf.for %scan3A_7 = %scan3A to %scan3A_4 step %scan3A_5  : i32 {
      %mul3A_8 = arith.constant 1 : i32
      %mul3A_9 = arith.muli %scan3A_7, %mul3A_8 : i32
      %add3A_10 = arith.constant 0 : i32
      %add3A_11 = arith.addi %add3A_10, %mul3A_9 : i32
      %mul3A_12 = arith.constant 512 : i32
      %mul3A_13 = arith.muli %add3A_11, %mul3A_12 : i32
      %add3A_14 = arith.addi %mul3A_13, %mul3A_2 : i32
      "tpu.region"() ({
        %run_scoped3A = tpu.sem_alloc : memref<!tpu.dma_semaphore, #tpu.memory_space<semaphore_mem>>
        %dma_start3A_24 = tpu.memref_slice %arg3[%add3A_14] : memref<65536xi32, #tpu.memory_space<hbm>> -> memref<16xi32, #tpu.memory_space<hbm>>
        %dma_start3A_25 = tpu.memref_slice %arg3[%add3A_14] : memref<65536xi32, #tpu.memory_space<hbm>> -> memref<16xi32, #tpu.memory_space<hbm>>
        tpu.enqueue_dma source(%dma_start3A_25 : memref<16xi32, #tpu.memory_space<hbm>>) target(%arg11 : memref<16xi32, #tpu.memory_space<vmem>>) target_semaphore(%run_scoped3A : memref<!tpu.dma_semaphore, #tpu.memory_space<semaphore_mem>>)
        %dma_wait3A_26 = tpu.memref_slice %arg3[%add3A_14] : memref<65536xi32, #tpu.memory_space<hbm>> -> memref<16xi32, #tpu.memory_space<hbm>>
        %dma_wait3A_27 = tpu.memref_slice %arg3[%add3A_14] : memref<65536xi32, #tpu.memory_space<hbm>> -> memref<16xi32, #tpu.memory_space<hbm>>
        tpu.wait_dma2 semaphore(%run_scoped3A : memref<!tpu.dma_semaphore, #tpu.memory_space<semaphore_mem>>) src(%dma_wait3A_27 : memref<16xi32, #tpu.memory_space<hbm>>) dst(%arg11 : memref<16xi32, #tpu.memory_space<vmem>>)
        tpu.yield
      }) : () -> ()
      %dma_start3A = arith.constant 0 : i32
      %dma_start3A_15 = arith.constant 0 : i32
      %dma_start3A_16 = tpu.memref_slice %arg2[%dma_start3A, %dma_start3A_15] : memref<30522x768xf32, #tpu.memory_space<hbm>> -> memref<30522x768xf32, #tpu.memory_space<hbm>>
      tpu.enqueue_indirect_dma source(%dma_start3A_16 : memref<30522x768xf32, #tpu.memory_space<hbm>>) target(%arg12 : memref<16x768xf32, #tpu.memory_space<vmem>>) offsets(%arg11 : memref<16xi32, #tpu.memory_space<vmem>>) semaphore(%arg13 : memref<!tpu.dma_semaphore, #tpu.memory_space<semaphore_mem>>)
      %dma_wait3A = arith.constant 0 : i32
      %dma_wait3A_17 = arith.constant 0 : i32
      %dma_wait3A_18 = tpu.memref_slice %arg2[%dma_wait3A, %dma_wait3A_17] : memref<30522x768xf32, #tpu.memory_space<hbm>> -> memref<30522x768xf32, #tpu.memory_space<hbm>>
      tpu.wait_indirect_dma semaphore(%arg13 : memref<!tpu.dma_semaphore, #tpu.memory_space<semaphore_mem>>) src(%dma_wait3A_18 : memref<30522x768xf32, #tpu.memory_space<hbm>>) dst(%arg12 : memref<16x768xf32, #tpu.memory_space<vmem>>)
      %scan3A_19 = arith.constant 0 : i32
      %scan3A_20 = arith.constant 16 : i32
      %scan3A_21 = arith.addi %scan3A_19, %scan3A_20 : i32
      %scan3A_22 = arith.constant 1 : i32
      scf.for %scan3A_24 = %scan3A_19 to %scan3A_21 step %scan3A_22  : i32 {
        %mul3A_25 = arith.constant 1 : i32
        %mul3A_26 = arith.muli %scan3A_24, %mul3A_25 : i32
        %add3A_27 = arith.constant 0 : i32
        %add3A_28 = arith.addi %add3A_27, %mul3A_26 : i32
        %broadcast_in_dim3A = arith.constant 0.000000e+00 : f32
        %broadcast_in_dim3A_29 = vector.broadcast %broadcast_in_dim3A : f32 to vector<16xf32>
        %broadcast_in_dim3A_30 = arith.constant 0.000000e+00 : f32
        %broadcast_in_dim3A_31 = vector.broadcast %broadcast_in_dim3A_30 : f32 to vector<16xf32>
        %get3A = arith.index_cast %add3A_28 : i32 to index
        %get3A_32 = arith.constant 0 : index
        %get3A_33 = tpu.vector_load %arg12[%get3A, %get3A_32] {strides = array<i32>} : memref<16x768xf32, #tpu.memory_space<vmem>>, vector<16xf32>,
        %get3A_34 = arith.index_cast %add3A_28 : i32 to index
        %get3A_35 = arith.constant 0 : index
        %get3A_36 = tpu.vector_load %arg8[%get3A_34, %get3A_35] {strides = array<i32>} : memref<16x768xf32, #tpu.memory_space<vmem>>, vector<16xf32>,
        %add3A_37 = arith.addf %get3A_33, %get3A_36 : vector<16xf32>
        %swap3A = arith.index_cast %add3A_28 : i32 to index
        %swap3A_38 = arith.constant 0 : index
        %swap3A_39 = tpu.vector_load %arg12[%swap3A, %swap3A_38] {strides = array<i32>} : memref<16x768xf32, #tpu.memory_space<vmem>>, vector<16xf32>,
        tpu.vector_store %arg12[%swap3A, %swap3A_38], %add3A_37 {strides = array<i32>} : memref<16x768xf32, #tpu.memory_space<vmem>>, vector<16xf32>,
        %add3A_40 = arith.addf %broadcast_in_dim3A_29, %add3A_37 : vector<16xf32>
        %mul3A_41 = arith.mulf %add3A_37, %add3A_37 : vector<16xf32>
        %add3A_42 = arith.addf %broadcast_in_dim3A_31, %mul3A_41 : vector<16xf32>
        %get3A_43 = arith.index_cast %add3A_28 : i32 to index
        %get3A_44 = arith.constant 16 : index
        %get3A_45 = tpu.vector_load %arg12[%get3A_43, %get3A_44] {strides = array<i32>} : memref<16x768xf32, #tpu.memory_space<vmem>>, vector<16xf32>,
        %get3A_46 = arith.index_cast %add3A_28 : i32 to index
        %get3A_47 = arith.constant 16 : index
        %get3A_48 = tpu.vector_load %arg8[%get3A_46, %get3A_47] {strides = array<i32>} : memref<16x768xf32, #tpu.memory_space<vmem>>, vector<16xf32>,
        %add3A_49 = arith.addf %get3A_45, %get3A_48 : vector<16xf32>
        %swap3A_50 = arith.index_cast %add3A_28 : i32 to index
        %swap3A_51 = arith.constant 16 : index
        %swap3A_52 = tpu.vector_load %arg12[%swap3A_50, %swap3A_51] {strides = array<i32>} : memref<16x768xf32, #tpu.memory_space<vmem>>, vector<16xf32>,
        tpu.vector_store %arg12[%swap3A_50, %swap3A_51], %add3A_49 {strides = array<i32>} : memref<16x768xf32, #tpu.memory_space<vmem>>, vector<16xf32>,
        %add3A_53 = arith.addf %add3A_40, %add3A_49 : vector<16xf32>
        %mul3A_54 = arith.mulf %add3A_49, %add3A_49 : vector<16xf32>
        %add3A_55 = arith.addf %add3A_42, %mul3A_54 : vector<16xf32>
        %get3A_56 = arith.index_cast %add3A_28 : i32 to index
        %get3A_57 = arith.constant 32 : index
        %get3A_58 = tpu.vector_load %arg12[%get3A_56, %get3A_57] {strides = array<i32>} : memref<16x768xf32, #tpu.memory_space<vmem>>, vector<16xf32>,
        %get3A_59 = arith.index_cast %add3A_28 : i32 to index
        %get3A_60 = arith.constant 32 : index
        %get3A_61 = tpu.vector_load %arg8[%get3A_59, %get3A_60] {strides = array<i32>} : memref<16x768xf32, #tpu.memory_space<vmem>>, vector<16xf32>,
        %add3A_62 = arith.addf %get3A_58, %get3A_61 : vector<16xf32>
        %swap3A_63 = arith.index_cast %add3A_28 : i32 to index
        %swap3A_64 = arith.constant 32 : index
        %swap3A_65 = tpu.vector_load %arg12[%swap3A_63, %swap3A_64] {strides = array<i32>} : memref<16x768xf32, #tpu.memory_space<vmem>>, vector<16xf32>,
        tpu.vector_store %arg12[%swap3A_63, %swap3A_64], %add3A_62 {strides = array<i32>} : memref<16x768xf32, #tpu.memory_space<vmem>>, vector<16xf32>,
        %add3A_66 = arith.addf %add3A_53, %add3A_62 : vector<16xf32>
        %mul3A_67 = arith.mulf %add3A_62, %add3A_62 : vector<16xf32>
        %add3A_68 = arith.addf %add3A_55, %mul3A_67 : vector<16xf32>
        %get3A_69 = arith.index_cast %add3A_28 : i32 to index
        %get3A_70 = arith.constant 48 : index
        %get3A_71 = tpu.vector_load %arg12[%get3A_69, %get3A_70] {strides = array<i32>} : memref<16x768xf32, #tpu.memory_space<vmem>>, vector<16xf32>,
        %get3A_72 = arith.index_cast %add3A_28 : i32 to index
        %get3A_73 = arith.constant 48 : index
        %get3A_74 = tpu.vector_load %arg8[%get3A_72, %get3A_73] {strides = array<i32>} : memref<16x768xf32, #tpu.memory_space<vmem>>, vector<16xf32>,
        %add3A_75 = arith.addf %get3A_71, %get3A_74 : vector<16xf32>
        %swap3A_76 = arith.index_cast %add3A_28 : i32 to index
        %swap3A_77 = arith.constant 48 : index
        %swap3A_78 = tpu.vector_load %arg12[%swap3A_76, %swap3A_77] {strides = array<i32>} : memref<16x768xf32, #tpu.memory_space<vmem>>, vector<16xf32>,
        tpu.vector_store %arg12[%swap3A_76, %swap3A_77], %add3A_75 {strides = array<i32>} : memref<16x768xf32, #tpu.memory_space<vmem>>, vector<16xf32>,
        %add3A_79 = arith.addf %add3A_66, %add3A_75 : vector<16xf32>
        %mul3A_80 = arith.mulf %add3A_75, %add3A_75 : vector<16xf32>
        %add3A_81 = arith.addf %add3A_68, %mul3A_80 : vector<16xf32>
        %get3A_82 = arith.index_cast %add3A_28 : i32 to index
        %get3A_83 = arith.constant 64 : index
        %get3A_84 = tpu.vector_load %arg12[%get3A_82, %get3A_83] {strides = array<i32>} : memref<16x768xf32, #tpu.memory_space<vmem>>, vector<16xf32>,
        %get3A_85 = arith.index_cast %add3A_28 : i32 to index
        %get3A_86 = arith.constant 64 : index
        %get3A_87 = tpu.vector_load %arg8[%get3A_85, %get3A_86] {strides = array<i32>} : memref<16x768xf32, #tpu.memory_space<vmem>>, vector<16xf32>,
        %add3A_88 = arith.addf %get3A_84, %get3A_87 : vector<16xf32>
        %swap3A_89 = arith.index_cast %add3A_28 : i32 to index
        %swap3A_90 = arith.constant 64 : index
        %swap3A_91 = tpu.vector_load %arg12[%swap3A_89, %swap3A_90] {strides = array<i32>} : memref<16x768xf32, #tpu.memory_space<vmem>>, vector<16xf32>,
        tpu.vector_store %arg12[%swap3A_89, %swap3A_90], %add3A_88 {strides = array<i32>} : memref<16x768xf32, #tpu.memory_space<vmem>>, vector<16xf32>,
        %add3A_92 = arith.addf %add3A_79, %add3A_88 : vector<16xf32>
        %mul3A_93 = arith.mulf %add3A_88, %add3A_88 : vector<16xf32>
        %add3A_94 = arith.addf %add3A_81, %mul3A_93 : vector<16xf32>
        %get3A_95 = arith.index_cast %add3A_28 : i32 to index
        %get3A_96 = arith.constant 80 : index
        %get3A_97 = tpu.vector_load %arg12[%get3A_95, %get3A_96] {strides = array<i32>} : memref<16x768xf32, #tpu.memory_space<vmem>>, vector<16xf32>,
        %get3A_98 = arith.index_cast %add3A_28 : i32 to index
        %get3A_99 = arith.constant 80 : index
        %get3A_100 = tpu.vector_load %arg8[%get3A_98, %get3A_99] {strides = array<i32>} : memref<16x768xf32, #tpu.memory_space<vmem>>, vector<16xf32>,
        %add3A_101 = arith.addf %get3A_97, %get3A_100 : vector<16xf32>
        %swap3A_102 = arith.index_cast %add3A_28 : i32 to index
        %swap3A_103 = arith.constant 80 : index
        %swap3A_104 = tpu.vector_load %arg12[%swap3A_102, %swap3A_103] {strides = array<i32>} : memref<16x768xf32, #tpu.memory_space<vmem>>, vector<16xf32>,
        tpu.vector_store %arg12[%swap3A_102, %swap3A_103], %add3A_101 {strides = array<i32>} : memref<16x768xf32, #tpu.memory_space<vmem>>, vector<16xf32>,
        %add3A_105 = arith.addf %add3A_92, %add3A_101 : vector<16xf32>
        %mul3A_106 = arith.mulf %add3A_101, %add3A_101 : vector<16xf32>
        %add3A_107 = arith.addf %add3A_94, %mul3A_106 : vector<16xf32>
        %get3A_108 = arith.index_cast %add3A_28 : i32 to index
        %get3A_109 = arith.constant 96 : index
        %get3A_110 = tpu.vector_load %arg12[%get3A_108, %get3A_109] {strides = array<i32>} : memref<16x768xf32, #tpu.memory_space<vmem>>, vector<16xf32>,
        %get3A_111 = arith.index_cast %add3A_28 : i32 to index
        %get3A_112 = arith.constant 96 : index
        %get3A_113 = tpu.vector_load %arg8[%get3A_111, %get3A_112] {strides = array<i32>} : memref<16x768xf32, #tpu.memory_space<vmem>>, vector<16xf32>,
        %add3A_114 = arith.addf %get3A_110, %get3A_113 : vector<16xf32>
        %swap3A_115 = arith.index_cast %add3A_28 : i32 to index
        %swap3A_116 = arith.constant 96 : index
        %swap3A_117 = tpu.vector_load %arg12[%swap3A_115, %swap3A_116] {strides = array<i32>} : memref<16x768xf32, #tpu.memory_space<vmem>>, vector<16xf32>,
        tpu.vector_store %arg12[%swap3A_115, %swap3A_116], %add3A_114 {strides = array<i32>} : memref<16x768xf32, #tpu.memory_space<vmem>>, vector<16xf32>,
        %add3A_118 = arith.addf %add3A_105, %add3A_114 : vector<16xf32>
        %mul3A_119 = arith.mulf %add3A_114, %add3A_114 : vector<16xf32>
        %add3A_120 = arith.addf %add3A_107, %mul3A_119 : vector<16xf32>
        %get3A_121 = arith.index_cast %add3A_28 : i32 to index
        %get3A_122 = arith.constant 112 : index
        %get3A_123 = tpu.vector_load %arg12[%get3A_121, %get3A_122] {strides = array<i32>} : memref<16x768xf32, #tpu.memory_space<vmem>>, vector<16xf32>,
        %get3A_124 = arith.index_cast %add3A_28 : i32 to index
        %get3A_125 = arith.constant 112 : index
        %get3A_126 = tpu.vector_load %arg8[%get3A_124, %get3A_125] {strides = array<i32>} : memref<16x768xf32, #tpu.memory_space<vmem>>, vector<16xf32>,
        %add3A_127 = arith.addf %get3A_123, %get3A_126 : vector<16xf32>
        %swap3A_128 = arith.index_cast %add3A_28 : i32 to index
        %swap3A_129 = arith.constant 112 : index
        %swap3A_130 = tpu.vector_load %arg12[%swap3A_128, %swap3A_129] {strides = array<i32>} : memref<16x768xf32, #tpu.memory_space<vmem>>, vector<16xf32>,
        tpu.vector_store %arg12[%swap3A_128, %swap3A_129], %add3A_127 {strides = array<i32>} : memref<16x768xf32, #tpu.memory_space<vmem>>, vector<16xf32>,
        %add3A_131 = arith.addf %add3A_118, %add3A_127 : vector<16xf32>
        %mul3A_132 = arith.mulf %add3A_127, %add3A_127 : vector<16xf32>
        %add3A_133 = arith.addf %add3A_120, %mul3A_132 : vector<16xf32>
        %get3A_134 = arith.index_cast %add3A_28 : i32 to index
        %get3A_135 = arith.constant 128 : index
        %get3A_136 = tpu.vector_load %arg12[%get3A_134, %get3A_135] {strides = array<i32>} : memref<16x768xf32, #tpu.memory_space<vmem>>, vector<16xf32>,
        %get3A_137 = arith.index_cast %add3A_28 : i32 to index
        %get3A_138 = arith.constant 128 : index
        %get3A_139 = tpu.vector_load %arg8[%get3A_137, %get3A_138] {strides = array<i32>} : memref<16x768xf32, #tpu.memory_space<vmem>>, vector<16xf32>,
        %add3A_140 = arith.addf %get3A_136, %get3A_139 : vector<16xf32>
        %swap3A_141 = arith.index_cast %add3A_28 : i32 to index
        %swap3A_142 = arith.constant 128 : index
        %swap3A_143 = tpu.vector_load %arg12[%swap3A_141, %swap3A_142] {strides = array<i32>} : memref<16x768xf32, #tpu.memory_space<vmem>>, vector<16xf32>,
        tpu.vector_store %arg12[%swap3A_141, %swap3A_142], %add3A_140 {strides = array<i32>} : memref<16x768xf32, #tpu.memory_space<vmem>>, vector<16xf32>,
        %add3A_144 = arith.addf %add3A_131, %add3A_140 : vector<16xf32>
        %mul3A_145 = arith.mulf %add3A_140, %add3A_140 : vector<16xf32>
        %add3A_146 = arith.addf %add3A_133, %mul3A_145 : vector<16xf32>
        %get3A_147 = arith.index_cast %add3A_28 : i32 to index
        %get3A_148 = arith.constant 144 : index
        %get3A_149 = tpu.vector_load %arg12[%get3A_147, %get3A_148] {strides = array<i32>} : memref<16x768xf32, #tpu.memory_space<vmem>>, vector<16xf32>,
        %get3A_150 = arith.index_cast %add3A_28 : i32 to index
        %get3A_151 = arith.constant 144 : index
        %get3A_152 = tpu.vector_load %arg8[%get3A_150, %get3A_151] {strides = array<i32>} : memref<16x768xf32, #tpu.memory_space<vmem>>, vector<16xf32>,
        %add3A_153 = arith.addf %get3A_149, %get3A_152 : vector<16xf32>
        %swap3A_154 = arith.index_cast %add3A_28 : i32 to index
        %swap3A_155 = arith.constant 144 : index
        %swap3A_156 = tpu.vector_load %arg12[%swap3A_154, %swap3A_155] {strides = array<i32>} : memref<16x768xf32, #tpu.memory_space<vmem>>, vector<16xf32>,
        tpu.vector_store %arg12[%swap3A_154, %swap3A_155], %add3A_153 {strides = array<i32>} : memref<16x768xf32, #tpu.memory_space<vmem>>, vector<16xf32>,
        %add3A_157 = arith.addf %add3A_144, %add3A_153 : vector<16xf32>
        %mul3A_158 = arith.mulf %add3A_153, %add3A_153 : vector<16xf32>
        %add3A_159 = arith.addf %add3A_146, %mul3A_158 : vector<16xf32>
        %get3A_160 = arith.index_cast %add3A_28 : i32 to index
        %get3A_161 = arith.constant 160 : index
        %get3A_162 = tpu.vector_load %arg12[%get3A_160, %get3A_161] {strides = array<i32>} : memref<16x768xf32, #tpu.memory_space<vmem>>, vector<16xf32>,
        %get3A_163 = arith.index_cast %add3A_28 : i32 to index
        %get3A_164 = arith.constant 160 : index
        %get3A_165 = tpu.vector_load %arg8[%get3A_163, %get3A_164] {strides = array<i32>} : memref<16x768xf32, #tpu.memory_space<vmem>>, vector<16xf32>,
        %add3A_166 = arith.addf %get3A_162, %get3A_165 : vector<16xf32>
        %swap3A_167 = arith.index_cast %add3A_28 : i32 to index
        %swap3A_168 = arith.constant 160 : index
        %swap3A_169 = tpu.vector_load %arg12[%swap3A_167, %swap3A_168] {strides = array<i32>} : memref<16x768xf32, #tpu.memory_space<vmem>>, vector<16xf32>,
        tpu.vector_store %arg12[%swap3A_167, %swap3A_168], %add3A_166 {strides = array<i32>} : memref<16x768xf32, #tpu.memory_space<vmem>>, vector<16xf32>,
        %add3A_170 = arith.addf %add3A_157, %add3A_166 : vector<16xf32>
        %mul3A_171 = arith.mulf %add3A_166, %add3A_166 : vector<16xf32>
        %add3A_172 = arith.addf %add3A_159, %mul3A_171 : vector<16xf32>
        %get3A_173 = arith.index_cast %add3A_28 : i32 to index
        %get3A_174 = arith.constant 176 : index
        %get3A_175 = tpu.vector_load %arg12[%get3A_173, %get3A_174] {strides = array<i32>} : memref<16x768xf32, #tpu.memory_space<vmem>>, vector<16xf32>,
        %get3A_176 = arith.index_cast %add3A_28 : i32 to index
        %get3A_177 = arith.constant 176 : index
        %get3A_178 = tpu.vector_load %arg8[%get3A_176, %get3A_177] {strides = array<i32>} : memref<16x768xf32, #tpu.memory_space<vmem>>, vector<16xf32>,
        %add3A_179 = arith.addf %get3A_175, %get3A_178 : vector<16xf32>
        %swap3A_180 = arith.index_cast %add3A_28 : i32 to index
        %swap3A_181 = arith.constant 176 : index
        %swap3A_182 = tpu.vector_load %arg12[%swap3A_180, %swap3A_181] {strides = array<i32>} : memref<16x768xf32, #tpu.memory_space<vmem>>, vector<16xf32>,
        tpu.vector_store %arg12[%swap3A_180, %swap3A_181], %add3A_179 {strides = array<i32>} : memref<16x768xf32, #tpu.memory_space<vmem>>, vector<16xf32>,
        %add3A_183 = arith.addf %add3A_170, %add3A_179 : vector<16xf32>
        %mul3A_184 = arith.mulf %add3A_179, %add3A_179 : vector<16xf32>
        %add3A_185 = arith.addf %add3A_172, %mul3A_184 : vector<16xf32>
        %get3A_186 = arith.index_cast %add3A_28 : i32 to index
        %get3A_187 = arith.constant 192 : index
        %get3A_188 = tpu.vector_load %arg12[%get3A_186, %get3A_187] {strides = array<i32>} : memref<16x768xf32, #tpu.memory_space<vmem>>, vector<16xf32>,
        %get3A_189 = arith.index_cast %add3A_28 : i32 to index
        %get3A_190 = arith.constant 192 : index
        %get3A_191 = tpu.vector_load %arg8[%get3A_189, %get3A_190] {strides = array<i32>} : memref<16x768xf32, #tpu.memory_space<vmem>>, vector<16xf32>,
        %add3A_192 = arith.addf %get3A_188, %get3A_191 : vector<16xf32>
        %swap3A_193 = arith.index_cast %add3A_28 : i32 to index
        %swap3A_194 = arith.constant 192 : index
        %swap3A_195 = tpu.vector_load %arg12[%swap3A_193, %swap3A_194] {strides = array<i32>} : memref<16x768xf32, #tpu.memory_space<vmem>>, vector<16xf32>,
        tpu.vector_store %arg12[%swap3A_193, %swap3A_194], %add3A_192 {strides = array<i32>} : memref<16x768xf32, #tpu.memory_space<vmem>>, vector<16xf32>,
        %add3A_196 = arith.addf %add3A_183, %add3A_192 : vector<16xf32>
        %mul3A_197 = arith.mulf %add3A_192, %add3A_192 : vector<16xf32>
        %add3A_198 = arith.addf %add3A_185, %mul3A_197 : vector<16xf32>
        %get3A_199 = arith.index_cast %add3A_28 : i32 to index
        %get3A_200 = arith.constant 208 : index
        %get3A_201 = tpu.vector_load %arg12[%get3A_199, %get3A_200] {strides = array<i32>} : memref<16x768xf32, #tpu.memory_space<vmem>>, vector<16xf32>,
        %get3A_202 = arith.index_cast %add3A_28 : i32 to index
        %get3A_203 = arith.constant 208 : index
        %get3A_204 = tpu.vector_load %arg8[%get3A_202, %get3A_203] {strides = array<i32>} : memref<16x768xf32, #tpu.memory_space<vmem>>, vector<16xf32>,
        %add3A_205 = arith.addf %get3A_201, %get3A_204 : vector<16xf32>
        %swap3A_206 = arith.index_cast %add3A_28 : i32 to index
        %swap3A_207 = arith.constant 208 : index
        %swap3A_208 = tpu.vector_load %arg12[%swap3A_206, %swap3A_207] {strides = array<i32>} : memref<16x768xf32, #tpu.memory_space<vmem>>, vector<16xf32>,
        tpu.vector_store %arg12[%swap3A_206, %swap3A_207], %add3A_205 {strides = array<i32>} : memref<16x768xf32, #tpu.memory_space<vmem>>, vector<16xf32>,
        %add3A_209 = arith.addf %add3A_196, %add3A_205 : vector<16xf32>
        %mul3A_210 = arith.mulf %add3A_205, %add3A_205 : vector<16xf32>
        %add3A_211 = arith.addf %add3A_198, %mul3A_210 : vector<16xf32>
        %get3A_212 = arith.index_cast %add3A_28 : i32 to index
        %get3A_213 = arith.constant 224 : index
        %get3A_214 = tpu.vector_load %arg12[%get3A_212, %get3A_213] {strides = array<i32>} : memref<16x768xf32, #tpu.memory_space<vmem>>, vector<16xf32>,
        %get3A_215 = arith.index_cast %add3A_28 : i32 to index
        %get3A_216 = arith.constant 224 : index
        %get3A_217 = tpu.vector_load %arg8[%get3A_215, %get3A_216] {strides = array<i32>} : memref<16x768xf32, #tpu.memory_space<vmem>>, vector<16xf32>,
        %add3A_218 = arith.addf %get3A_214, %get3A_217 : vector<16xf32>
        %swap3A_219 = arith.index_cast %add3A_28 : i32 to index
        %swap3A_220 = arith.constant 224 : index
        %swap3A_221 = tpu.vector_load %arg12[%swap3A_219, %swap3A_220] {strides = array<i32>} : memref<16x768xf32, #tpu.memory_space<vmem>>, vector<16xf32>,
        tpu.vector_store %arg12[%swap3A_219, %swap3A_220], %add3A_218 {strides = array<i32>} : memref<16x768xf32, #tpu.memory_space<vmem>>, vector<16xf32>,
        %add3A_222 = arith.addf %add3A_209, %add3A_218 : vector<16xf32>
        %mul3A_223 = arith.mulf %add3A_218, %add3A_218 : vector<16xf32>
        %add3A_224 = arith.addf %add3A_211, %mul3A_223 : vector<16xf32>
        %get3A_225 = arith.index_cast %add3A_28 : i32 to index
        %get3A_226 = arith.constant 240 : index
        %get3A_227 = tpu.vector_load %arg12[%get3A_225, %get3A_226] {strides = array<i32>} : memref<16x768xf32, #tpu.memory_space<vmem>>, vector<16xf32>,
        %get3A_228 = arith.index_cast %add3A_28 : i32 to index
        %get3A_229 = arith.constant 240 : index
        %get3A_230 = tpu.vector_load %arg8[%get3A_228, %get3A_229] {strides = array<i32>} : memref<16x768xf32, #tpu.memory_space<vmem>>, vector<16xf32>,
        %add3A_231 = arith.addf %get3A_227, %get3A_230 : vector<16xf32>
        %swap3A_232 = arith.index_cast %add3A_28 : i32 to index
        %swap3A_233 = arith.constant 240 : index
        %swap3A_234 = tpu.vector_load %arg12[%swap3A_232, %swap3A_233] {strides = array<i32>} : memref<16x768xf32, #tpu.memory_space<vmem>>, vector<16xf32>,
        tpu.vector_store %arg12[%swap3A_232, %swap3A_233], %add3A_231 {strides = array<i32>} : memref<16x768xf32, #tpu.memory_space<vmem>>, vector<16xf32>,
        %add3A_235 = arith.addf %add3A_222, %add3A_231 : vector<16xf32>
        %mul3A_236 = arith.mulf %add3A_231, %add3A_231 : vector<16xf32>
        %add3A_237 = arith.addf %add3A_224, %mul3A_236 : vector<16xf32>
        %get3A_238 = arith.index_cast %add3A_28 : i32 to index
        %get3A_239 = arith.constant 256 : index
        %get3A_240 = tpu.vector_load %arg12[%get3A_238, %get3A_239] {strides = array<i32>} : memref<16x768xf32, #tpu.memory_space<vmem>>, vector<16xf32>,
        %get3A_241 = arith.index_cast %add3A_28 : i32 to index
        %get3A_242 = arith.constant 256 : index
        %get3A_243 = tpu.vector_load %arg8[%get3A_241, %get3A_242] {strides = array<i32>} : memref<16x768xf32, #tpu.memory_space<vmem>>, vector<16xf32>,
        %add3A_244 = arith.addf %get3A_240, %get3A_243 : vector<16xf32>
        %swap3A_245 = arith.index_cast %add3A_28 : i32 to index
        %swap3A_246 = arith.constant 256 : index
        %swap3A_247 = tpu.vector_load %arg12[%swap3A_245, %swap3A_246] {strides = array<i32>} : memref<16x768xf32, #tpu.memory_space<vmem>>, vector<16xf32>,
        tpu.vector_store %arg12[%swap3A_245, %swap3A_246], %add3A_244 {strides = array<i32>} : memref<16x768xf32, #tpu.memory_space<vmem>>, vector<16xf32>,
        %add3A_248 = arith.addf %add3A_235, %add3A_244 : vector<16xf32>
        %mul3A_249 = arith.mulf %add3A_244, %add3A_244 : vector<16xf32>
        %add3A_250 = arith.addf %add3A_237, %mul3A_249 : vector<16xf32>
        %get3A_251 = arith.index_cast %add3A_28 : i32 to index
        %get3A_252 = arith.constant 272 : index
        %get3A_253 = tpu.vector_load %arg12[%get3A_251, %get3A_252] {strides = array<i32>} : memref<16x768xf32, #tpu.memory_space<vmem>>, vector<16xf32>,
        %get3A_254 = arith.index_cast %add3A_28 : i32 to index
        %get3A_255 = arith.constant 272 : index
        %get3A_256 = tpu.vector_load %arg8[%get3A_254, %get3A_255] {strides = array<i32>} : memref<16x768xf32, #tpu.memory_space<vmem>>, vector<16xf32>,
        %add3A_257 = arith.addf %get3A_253, %get3A_256 : vector<16xf32>
        %swap3A_258 = arith.index_cast %add3A_28 : i32 to index
        %swap3A_259 = arith.constant 272 : index
        %swap3A_260 = tpu.vector_load %arg12[%swap3A_258, %swap3A_259] {strides = array<i32>} : memref<16x768xf32, #tpu.memory_space<vmem>>, vector<16xf32>,
        tpu.vector_store %arg12[%swap3A_258, %swap3A_259], %add3A_257 {strides = array<i32>} : memref<16x768xf32, #tpu.memory_space<vmem>>, vector<16xf32>,
        %add3A_261 = arith.addf %add3A_248, %add3A_257 : vector<16xf32>
        %mul3A_262 = arith.mulf %add3A_257, %add3A_257 : vector<16xf32>
        %add3A_263 = arith.addf %add3A_250, %mul3A_262 : vector<16xf32>
        %get3A_264 = arith.index_cast %add3A_28 : i32 to index
        %get3A_265 = arith.constant 288 : index
        %get3A_266 = tpu.vector_load %arg12[%get3A_264, %get3A_265] {strides = array<i32>} : memref<16x768xf32, #tpu.memory_space<vmem>>, vector<16xf32>,
        %get3A_267 = arith.index_cast %add3A_28 : i32 to index
        %get3A_268 = arith.constant 288 : index
        %get3A_269 = tpu.vector_load %arg8[%get3A_267, %get3A_268] {strides = array<i32>} : memref<16x768xf32, #tpu.memory_space<vmem>>, vector<16xf32>,
        %add3A_270 = arith.addf %get3A_266, %get3A_269 : vector<16xf32>
        %swap3A_271 = arith.index_cast %add3A_28 : i32 to index
        %swap3A_272 = arith.constant 288 : index
        %swap3A_273 = tpu.vector_load %arg12[%swap3A_271, %swap3A_272] {strides = array<i32>} : memref<16x768xf32, #tpu.memory_space<vmem>>, vector<16xf32>,
        tpu.vector_store %arg12[%swap3A_271, %swap3A_272], %add3A_270 {strides = array<i32>} : memref<16x768xf32, #tpu.memory_space<vmem>>, vector<16xf32>,
        %add3A_274 = arith.addf %add3A_261, %add3A_270 : vector<16xf32>
        %mul3A_275 = arith.mulf %add3A_270, %add3A_270 : vector<16xf32>
        %add3A_276 = arith.addf %add3A_263, %mul3A_275 : vector<16xf32>
        %get3A_277 = arith.index_cast %add3A_28 : i32 to index
        %get3A_278 = arith.constant 304 : index
        %get3A_279 = tpu.vector_load %arg12[%get3A_277, %get3A_278] {strides = array<i32>} : memref<16x768xf32, #tpu.memory_space<vmem>>, vector<16xf32>,
        %get3A_280 = arith.index_cast %add3A_28 : i32 to index
        %get3A_281 = arith.constant 304 : index
        %get3A_282 = tpu.vector_load %arg8[%get3A_280, %get3A_281] {strides = array<i32>} : memref<16x768xf32, #tpu.memory_space<vmem>>, vector<16xf32>,
        %add3A_283 = arith.addf %get3A_279, %get3A_282 : vector<16xf32>
        %swap3A_284 = arith.index_cast %add3A_28 : i32 to index
        %swap3A_285 = arith.constant 304 : index
        %swap3A_286 = tpu.vector_load %arg12[%swap3A_284, %swap3A_285] {strides = array<i32>} : memref<16x768xf32, #tpu.memory_space<vmem>>, vector<16xf32>,
        tpu.vector_store %arg12[%swap3A_284, %swap3A_285], %add3A_283 {strides = array<i32>} : memref<16x768xf32, #tpu.memory_space<vmem>>, vector<16xf32>,
        %add3A_287 = arith.addf %add3A_274, %add3A_283 : vector<16xf32>
        %mul3A_288 = arith.mulf %add3A_283, %add3A_283 : vector<16xf32>
        %add3A_289 = arith.addf %add3A_276, %mul3A_288 : vector<16xf32>
        %get3A_290 = arith.index_cast %add3A_28 : i32 to index
        %get3A_291 = arith.constant 320 : index
        %get3A_292 = tpu.vector_load %arg12[%get3A_290, %get3A_291] {strides = array<i32>} : memref<16x768xf32, #tpu.memory_space<vmem>>, vector<16xf32>,
        %get3A_293 = arith.index_cast %add3A_28 : i32 to index
        %get3A_294 = arith.constant 320 : index
        %get3A_295 = tpu.vector_load %arg8[%get3A_293, %get3A_294] {strides = array<i32>} : memref<16x768xf32, #tpu.memory_space<vmem>>, vector<16xf32>,
        %add3A_296 = arith.addf %get3A_292, %get3A_295 : vector<16xf32>
        %swap3A_297 = arith.index_cast %add3A_28 : i32 to index
        %swap3A_298 = arith.constant 320 : index
        %swap3A_299 = tpu.vector_load %arg12[%swap3A_297, %swap3A_298] {strides = array<i32>} : memref<16x768xf32, #tpu.memory_space<vmem>>, vector<16xf32>,
        tpu.vector_store %arg12[%swap3A_297, %swap3A_298], %add3A_296 {strides = array<i32>} : memref<16x768xf32, #tpu.memory_space<vmem>>, vector<16xf32>,
        %add3A_300 = arith.addf %add3A_287, %add3A_296 : vector<16xf32>
        %mul3A_301 = arith.mulf %add3A_296, %add3A_296 : vector<16xf32>
        %add3A_302 = arith.addf %add3A_289, %mul3A_301 : vector<16xf32>
        %get3A_303 = arith.index_cast %add3A_28 : i32 to index
        %get3A_304 = arith.constant 336 : index
        %get3A_305 = tpu.vector_load %arg12[%get3A_303, %get3A_304] {strides = array<i32>} : memref<16x768xf32, #tpu.memory_space<vmem>>, vector<16xf32>,
        %get3A_306 = arith.index_cast %add3A_28 : i32 to index
        %get3A_307 = arith.constant 336 : index
        %get3A_308 = tpu.vector_load %arg8[%get3A_306, %get3A_307] {strides = array<i32>} : memref<16x768xf32, #tpu.memory_space<vmem>>, vector<16xf32>,
        %add3A_309 = arith.addf %get3A_305, %get3A_308 : vector<16xf32>
        %swap3A_310 = arith.index_cast %add3A_28 : i32 to index
        %swap3A_311 = arith.constant 336 : index
        %swap3A_312 = tpu.vector_load %arg12[%swap3A_310, %swap3A_311] {strides = array<i32>} : memref<16x768xf32, #tpu.memory_space<vmem>>, vector<16xf32>,
        tpu.vector_store %arg12[%swap3A_310, %swap3A_311], %add3A_309 {strides = array<i32>} : memref<16x768xf32, #tpu.memory_space<vmem>>, vector<16xf32>,
        %add3A_313 = arith.addf %add3A_300, %add3A_309 : vector<16xf32>
        %mul3A_314 = arith.mulf %add3A_309, %add3A_309 : vector<16xf32>
        %add3A_315 = arith.addf %add3A_302, %mul3A_314 : vector<16xf32>
        %get3A_316 = arith.index_cast %add3A_28 : i32 to index
        %get3A_317 = arith.constant 352 : index
        %get3A_318 = tpu.vector_load %arg12[%get3A_316, %get3A_317] {strides = array<i32>} : memref<16x768xf32, #tpu.memory_space<vmem>>, vector<16xf32>,
        %get3A_319 = arith.index_cast %add3A_28 : i32 to index
        %get3A_320 = arith.constant 352 : index
        %get3A_321 = tpu.vector_load %arg8[%get3A_319, %get3A_320] {strides = array<i32>} : memref<16x768xf32, #tpu.memory_space<vmem>>, vector<16xf32>,
        %add3A_322 = arith.addf %get3A_318, %get3A_321 : vector<16xf32>
        %swap3A_323 = arith.index_cast %add3A_28 : i32 to index
        %swap3A_324 = arith.constant 352 : index
        %swap3A_325 = tpu.vector_load %arg12[%swap3A_323, %swap3A_324] {strides = array<i32>} : memref<16x768xf32, #tpu.memory_space<vmem>>, vector<16xf32>,
        tpu.vector_store %arg12[%swap3A_323, %swap3A_324], %add3A_322 {strides = array<i32>} : memref<16x768xf32, #tpu.memory_space<vmem>>, vector<16xf32>,
        %add3A_326 = arith.addf %add3A_313, %add3A_322 : vector<16xf32>
        %mul3A_327 = arith.mulf %add3A_322, %add3A_322 : vector<16xf32>
        %add3A_328 = arith.addf %add3A_315, %mul3A_327 : vector<16xf32>
        %get3A_329 = arith.index_cast %add3A_28 : i32 to index
        %get3A_330 = arith.constant 368 : index
        %get3A_331 = tpu.vector_load %arg12[%get3A_329, %get3A_330] {strides = array<i32>} : memref<16x768xf32, #tpu.memory_space<vmem>>, vector<16xf32>,
        %get3A_332 = arith.index_cast %add3A_28 : i32 to index
        %get3A_333 = arith.constant 368 : index
        %get3A_334 = tpu.vector_load %arg8[%get3A_332, %get3A_333] {strides = array<i32>} : memref<16x768xf32, #tpu.memory_space<vmem>>, vector<16xf32>,
        %add3A_335 = arith.addf %get3A_331, %get3A_334 : vector<16xf32>
        %swap3A_336 = arith.index_cast %add3A_28 : i32 to index
        %swap3A_337 = arith.constant 368 : index
        %swap3A_338 = tpu.vector_load %arg12[%swap3A_336, %swap3A_337] {strides = array<i32>} : memref<16x768xf32, #tpu.memory_space<vmem>>, vector<16xf32>,
        tpu.vector_store %arg12[%swap3A_336, %swap3A_337], %add3A_335 {strides = array<i32>} : memref<16x768xf32, #tpu.memory_space<vmem>>, vector<16xf32>,
        %add3A_339 = arith.addf %add3A_326, %add3A_335 : vector<16xf32>
        %mul3A_340 = arith.mulf %add3A_335, %add3A_335 : vector<16xf32>
        %add3A_341 = arith.addf %add3A_328, %mul3A_340 : vector<16xf32>
        %get3A_342 = arith.index_cast %add3A_28 : i32 to index
        %get3A_343 = arith.constant 384 : index
        %get3A_344 = tpu.vector_load %arg12[%get3A_342, %get3A_343] {strides = array<i32>} : memref<16x768xf32, #tpu.memory_space<vmem>>, vector<16xf32>,
        %get3A_345 = arith.index_cast %add3A_28 : i32 to index
        %get3A_346 = arith.constant 384 : index
        %get3A_347 = tpu.vector_load %arg8[%get3A_345, %get3A_346] {strides = array<i32>} : memref<16x768xf32, #tpu.memory_space<vmem>>, vector<16xf32>,
        %add3A_348 = arith.addf %get3A_344, %get3A_347 : vector<16xf32>
        %swap3A_349 = arith.index_cast %add3A_28 : i32 to index
        %swap3A_350 = arith.constant 384 : index
        %swap3A_351 = tpu.vector_load %arg12[%swap3A_349, %swap3A_350] {strides = array<i32>} : memref<16x768xf32, #tpu.memory_space<vmem>>, vector<16xf32>,
        tpu.vector_store %arg12[%swap3A_349, %swap3A_350], %add3A_348 {strides = array<i32>} : memref<16x768xf32, #tpu.memory_space<vmem>>, vector<16xf32>,
        %add3A_352 = arith.addf %add3A_339, %add3A_348 : vector<16xf32>
        %mul3A_353 = arith.mulf %add3A_348, %add3A_348 : vector<16xf32>
        %add3A_354 = arith.addf %add3A_341, %mul3A_353 : vector<16xf32>
        %get3A_355 = arith.index_cast %add3A_28 : i32 to index
        %get3A_356 = arith.constant 400 : index
        %get3A_357 = tpu.vector_load %arg12[%get3A_355, %get3A_356] {strides = array<i32>} : memref<16x768xf32, #tpu.memory_space<vmem>>, vector<16xf32>,
        %get3A_358 = arith.index_cast %add3A_28 : i32 to index
        %get3A_359 = arith.constant 400 : index
        %get3A_360 = tpu.vector_load %arg8[%get3A_358, %get3A_359] {strides = array<i32>} : memref<16x768xf32, #tpu.memory_space<vmem>>, vector<16xf32>,
        %add3A_361 = arith.addf %get3A_357, %get3A_360 : vector<16xf32>
        %swap3A_362 = arith.index_cast %add3A_28 : i32 to index
        %swap3A_363 = arith.constant 400 : index
        %swap3A_364 = tpu.vector_load %arg12[%swap3A_362, %swap3A_363] {strides = array<i32>} : memref<16x768xf32, #tpu.memory_space<vmem>>, vector<16xf32>,
        tpu.vector_store %arg12[%swap3A_362, %swap3A_363], %add3A_361 {strides = array<i32>} : memref<16x768xf32, #tpu.memory_space<vmem>>, vector<16xf32>,
        %add3A_365 = arith.addf %add3A_352, %add3A_361 : vector<16xf32>
        %mul3A_366 = arith.mulf %add3A_361, %add3A_361 : vector<16xf32>
        %add3A_367 = arith.addf %add3A_354, %mul3A_366 : vector<16xf32>
        %get3A_368 = arith.index_cast %add3A_28 : i32 to index
        %get3A_369 = arith.constant 416 : index
        %get3A_370 = tpu.vector_load %arg12[%get3A_368, %get3A_369] {strides = array<i32>} : memref<16x768xf32, #tpu.memory_space<vmem>>, vector<16xf32>,
        %get3A_371 = arith.index_cast %add3A_28 : i32 to index
        %get3A_372 = arith.constant 416 : index
        %get3A_373 = tpu.vector_load %arg8[%get3A_371, %get3A_372] {strides = array<i32>} : memref<16x768xf32, #tpu.memory_space<vmem>>, vector<16xf32>,
        %add3A_374 = arith.addf %get3A_370, %get3A_373 : vector<16xf32>
        %swap3A_375 = arith.index_cast %add3A_28 : i32 to index
        %swap3A_376 = arith.constant 416 : index
        %swap3A_377 = tpu.vector_load %arg12[%swap3A_375, %swap3A_376] {strides = array<i32>} : memref<16x768xf32, #tpu.memory_space<vmem>>, vector<16xf32>,
        tpu.vector_store %arg12[%swap3A_375, %swap3A_376], %add3A_374 {strides = array<i32>} : memref<16x768xf32, #tpu.memory_space<vmem>>, vector<16xf32>,
        %add3A_378 = arith.addf %add3A_365, %add3A_374 : vector<16xf32>
        %mul3A_379 = arith.mulf %add3A_374, %add3A_374 : vector<16xf32>
        %add3A_380 = arith.addf %add3A_367, %mul3A_379 : vector<16xf32>
        %get3A_381 = arith.index_cast %add3A_28 : i32 to index
        %get3A_382 = arith.constant 432 : index
        %get3A_383 = tpu.vector_load %arg12[%get3A_381, %get3A_382] {strides = array<i32>} : memref<16x768xf32, #tpu.memory_space<vmem>>, vector<16xf32>,
        %get3A_384 = arith.index_cast %add3A_28 : i32 to index
        %get3A_385 = arith.constant 432 : index
        %get3A_386 = tpu.vector_load %arg8[%get3A_384, %get3A_385] {strides = array<i32>} : memref<16x768xf32, #tpu.memory_space<vmem>>, vector<16xf32>,
        %add3A_387 = arith.addf %get3A_383, %get3A_386 : vector<16xf32>
        %swap3A_388 = arith.index_cast %add3A_28 : i32 to index
        %swap3A_389 = arith.constant 432 : index
        %swap3A_390 = tpu.vector_load %arg12[%swap3A_388, %swap3A_389] {strides = array<i32>} : memref<16x768xf32, #tpu.memory_space<vmem>>, vector<16xf32>,
        tpu.vector_store %arg12[%swap3A_388, %swap3A_389], %add3A_387 {strides = array<i32>} : memref<16x768xf32, #tpu.memory_space<vmem>>, vector<16xf32>,
        %add3A_391 = arith.addf %add3A_378, %add3A_387 : vector<16xf32>
        %mul3A_392 = arith.mulf %add3A_387, %add3A_387 : vector<16xf32>
        %add3A_393 = arith.addf %add3A_380, %mul3A_392 : vector<16xf32>
        %get3A_394 = arith.index_cast %add3A_28 : i32 to index
        %get3A_395 = arith.constant 448 : index
        %get3A_396 = tpu.vector_load %arg12[%get3A_394, %get3A_395] {strides = array<i32>} : memref<16x768xf32, #tpu.memory_space<vmem>>, vector<16xf32>,
        %get3A_397 = arith.index_cast %add3A_28 : i32 to index
        %get3A_398 = arith.constant 448 : index
        %get3A_399 = tpu.vector_load %arg8[%get3A_397, %get3A_398] {strides = array<i32>} : memref<16x768xf32, #tpu.memory_space<vmem>>, vector<16xf32>,
        %add3A_400 = arith.addf %get3A_396, %get3A_399 : vector<16xf32>
        %swap3A_401 = arith.index_cast %add3A_28 : i32 to index
        %swap3A_402 = arith.constant 448 : index
        %swap3A_403 = tpu.vector_load %arg12[%swap3A_401, %swap3A_402] {strides = array<i32>} : memref<16x768xf32, #tpu.memory_space<vmem>>, vector<16xf32>,
        tpu.vector_store %arg12[%swap3A_401, %swap3A_402], %add3A_400 {strides = array<i32>} : memref<16x768xf32, #tpu.memory_space<vmem>>, vector<16xf32>,
        %add3A_404 = arith.addf %add3A_391, %add3A_400 : vector<16xf32>
        %mul3A_405 = arith.mulf %add3A_400, %add3A_400 : vector<16xf32>
        %add3A_406 = arith.addf %add3A_393, %mul3A_405 : vector<16xf32>
        %get3A_407 = arith.index_cast %add3A_28 : i32 to index
        %get3A_408 = arith.constant 464 : index
        %get3A_409 = tpu.vector_load %arg12[%get3A_407, %get3A_408] {strides = array<i32>} : memref<16x768xf32, #tpu.memory_space<vmem>>, vector<16xf32>,
        %get3A_410 = arith.index_cast %add3A_28 : i32 to index
        %get3A_411 = arith.constant 464 : index
        %get3A_412 = tpu.vector_load %arg8[%get3A_410, %get3A_411] {strides = array<i32>} : memref<16x768xf32, #tpu.memory_space<vmem>>, vector<16xf32>,
        %add3A_413 = arith.addf %get3A_409, %get3A_412 : vector<16xf32>
        %swap3A_414 = arith.index_cast %add3A_28 : i32 to index
        %swap3A_415 = arith.constant 464 : index
        %swap3A_416 = tpu.vector_load %arg12[%swap3A_414, %swap3A_415] {strides = array<i32>} : memref<16x768xf32, #tpu.memory_space<vmem>>, vector<16xf32>,
        tpu.vector_store %arg12[%swap3A_414, %swap3A_415], %add3A_413 {strides = array<i32>} : memref<16x768xf32, #tpu.memory_space<vmem>>, vector<16xf32>,
        %add3A_417 = arith.addf %add3A_404, %add3A_413 : vector<16xf32>
        %mul3A_418 = arith.mulf %add3A_413, %add3A_413 : vector<16xf32>
        %add3A_419 = arith.addf %add3A_406, %mul3A_418 : vector<16xf32>
        %get3A_420 = arith.index_cast %add3A_28 : i32 to index
        %get3A_421 = arith.constant 480 : index
        %get3A_422 = tpu.vector_load %arg12[%get3A_420, %get3A_421] {strides = array<i32>} : memref<16x768xf32, #tpu.memory_space<vmem>>, vector<16xf32>,
        %get3A_423 = arith.index_cast %add3A_28 : i32 to index
        %get3A_424 = arith.constant 480 : index
        %get3A_425 = tpu.vector_load %arg8[%get3A_423, %get3A_424] {strides = array<i32>} : memref<16x768xf32, #tpu.memory_space<vmem>>, vector<16xf32>,
        %add3A_426 = arith.addf %get3A_422, %get3A_425 : vector<16xf32>
        %swap3A_427 = arith.index_cast %add3A_28 : i32 to index
        %swap3A_428 = arith.constant 480 : index
        %swap3A_429 = tpu.vector_load %arg12[%swap3A_427, %swap3A_428] {strides = array<i32>} : memref<16x768xf32, #tpu.memory_space<vmem>>, vector<16xf32>,
        tpu.vector_store %arg12[%swap3A_427, %swap3A_428], %add3A_426 {strides = array<i32>} : memref<16x768xf32, #tpu.memory_space<vmem>>, vector<16xf32>,
        %add3A_430 = arith.addf %add3A_417, %add3A_426 : vector<16xf32>
        %mul3A_431 = arith.mulf %add3A_426, %add3A_426 : vector<16xf32>
        %add3A_432 = arith.addf %add3A_419, %mul3A_431 : vector<16xf32>
        %get3A_433 = arith.index_cast %add3A_28 : i32 to index
        %get3A_434 = arith.constant 496 : index
        %get3A_435 = tpu.vector_load %arg12[%get3A_433, %get3A_434] {strides = array<i32>} : memref<16x768xf32, #tpu.memory_space<vmem>>, vector<16xf32>,
        %get3A_436 = arith.index_cast %add3A_28 : i32 to index
        %get3A_437 = arith.constant 496 : index
        %get3A_438 = tpu.vector_load %arg8[%get3A_436, %get3A_437] {strides = array<i32>} : memref<16x768xf32, #tpu.memory_space<vmem>>, vector<16xf32>,
        %add3A_439 = arith.addf %get3A_435, %get3A_438 : vector<16xf32>
        %swap3A_440 = arith.index_cast %add3A_28 : i32 to index
        %swap3A_441 = arith.constant 496 : index
        %swap3A_442 = tpu.vector_load %arg12[%swap3A_440, %swap3A_441] {strides = array<i32>} : memref<16x768xf32, #tpu.memory_space<vmem>>, vector<16xf32>,
        tpu.vector_store %arg12[%swap3A_440, %swap3A_441], %add3A_439 {strides = array<i32>} : memref<16x768xf32, #tpu.memory_space<vmem>>, vector<16xf32>,
        %add3A_443 = arith.addf %add3A_430, %add3A_439 : vector<16xf32>
        %mul3A_444 = arith.mulf %add3A_439, %add3A_439 : vector<16xf32>
        %add3A_445 = arith.addf %add3A_432, %mul3A_444 : vector<16xf32>
        %get3A_446 = arith.index_cast %add3A_28 : i32 to index
        %get3A_447 = arith.constant 512 : index
        %get3A_448 = tpu.vector_load %arg12[%get3A_446, %get3A_447] {strides = array<i32>} : memref<16x768xf32, #tpu.memory_space<vmem>>, vector<16xf32>,
        %get3A_449 = arith.index_cast %add3A_28 : i32 to index
        %get3A_450 = arith.constant 512 : index
        %get3A_451 = tpu.vector_load %arg8[%get3A_449, %get3A_450] {strides = array<i32>} : memref<16x768xf32, #tpu.memory_space<vmem>>, vector<16xf32>,
        %add3A_452 = arith.addf %get3A_448, %get3A_451 : vector<16xf32>
        %swap3A_453 = arith.index_cast %add3A_28 : i32 to index
        %swap3A_454 = arith.constant 512 : index
        %swap3A_455 = tpu.vector_load %arg12[%swap3A_453, %swap3A_454] {strides = array<i32>} : memref<16x768xf32, #tpu.memory_space<vmem>>, vector<16xf32>,
        tpu.vector_store %arg12[%swap3A_453, %swap3A_454], %add3A_452 {strides = array<i32>} : memref<16x768xf32, #tpu.memory_space<vmem>>, vector<16xf32>,
        %add3A_456 = arith.addf %add3A_443, %add3A_452 : vector<16xf32>
        %mul3A_457 = arith.mulf %add3A_452, %add3A_452 : vector<16xf32>
        %add3A_458 = arith.addf %add3A_445, %mul3A_457 : vector<16xf32>
        %get3A_459 = arith.index_cast %add3A_28 : i32 to index
        %get3A_460 = arith.constant 528 : index
        %get3A_461 = tpu.vector_load %arg12[%get3A_459, %get3A_460] {strides = array<i32>} : memref<16x768xf32, #tpu.memory_space<vmem>>, vector<16xf32>,
        %get3A_462 = arith.index_cast %add3A_28 : i32 to index
        %get3A_463 = arith.constant 528 : index
        %get3A_464 = tpu.vector_load %arg8[%get3A_462, %get3A_463] {strides = array<i32>} : memref<16x768xf32, #tpu.memory_space<vmem>>, vector<16xf32>,
        %add3A_465 = arith.addf %get3A_461, %get3A_464 : vector<16xf32>
        %swap3A_466 = arith.index_cast %add3A_28 : i32 to index
        %swap3A_467 = arith.constant 528 : index
        %swap3A_468 = tpu.vector_load %arg12[%swap3A_466, %swap3A_467] {strides = array<i32>} : memref<16x768xf32, #tpu.memory_space<vmem>>, vector<16xf32>,
        tpu.vector_store %arg12[%swap3A_466, %swap3A_467], %add3A_465 {strides = array<i32>} : memref<16x768xf32, #tpu.memory_space<vmem>>, vector<16xf32>,
        %add3A_469 = arith.addf %add3A_456, %add3A_465 : vector<16xf32>
        %mul3A_470 = arith.mulf %add3A_465, %add3A_465 : vector<16xf32>
        %add3A_471 = arith.addf %add3A_458, %mul3A_470 : vector<16xf32>
        %get3A_472 = arith.index_cast %add3A_28 : i32 to index
        %get3A_473 = arith.constant 544 : index
        %get3A_474 = tpu.vector_load %arg12[%get3A_472, %get3A_473] {strides = array<i32>} : memref<16x768xf32, #tpu.memory_space<vmem>>, vector<16xf32>,
        %get3A_475 = arith.index_cast %add3A_28 : i32 to index
        %get3A_476 = arith.constant 544 : index
        %get3A_477 = tpu.vector_load %arg8[%get3A_475, %get3A_476] {strides = array<i32>} : memref<16x768xf32, #tpu.memory_space<vmem>>, vector<16xf32>,
        %add3A_478 = arith.addf %get3A_474, %get3A_477 : vector<16xf32>
        %swap3A_479 = arith.index_cast %add3A_28 : i32 to index
        %swap3A_480 = arith.constant 544 : index
        %swap3A_481 = tpu.vector_load %arg12[%swap3A_479, %swap3A_480] {strides = array<i32>} : memref<16x768xf32, #tpu.memory_space<vmem>>, vector<16xf32>,
        tpu.vector_store %arg12[%swap3A_479, %swap3A_480], %add3A_478 {strides = array<i32>} : memref<16x768xf32, #tpu.memory_space<vmem>>, vector<16xf32>,
        %add3A_482 = arith.addf %add3A_469, %add3A_478 : vector<16xf32>
        %mul3A_483 = arith.mulf %add3A_478, %add3A_478 : vector<16xf32>
        %add3A_484 = arith.addf %add3A_471, %mul3A_483 : vector<16xf32>
        %get3A_485 = arith.index_cast %add3A_28 : i32 to index
        %get3A_486 = arith.constant 560 : index
        %get3A_487 = tpu.vector_load %arg12[%get3A_485, %get3A_486] {strides = array<i32>} : memref<16x768xf32, #tpu.memory_space<vmem>>, vector<16xf32>,
        %get3A_488 = arith.index_cast %add3A_28 : i32 to index
        %get3A_489 = arith.constant 560 : index
        %get3A_490 = tpu.vector_load %arg8[%get3A_488, %get3A_489] {strides = array<i32>} : memref<16x768xf32, #tpu.memory_space<vmem>>, vector<16xf32>,
        %add3A_491 = arith.addf %get3A_487, %get3A_490 : vector<16xf32>
        %swap3A_492 = arith.index_cast %add3A_28 : i32 to index
        %swap3A_493 = arith.constant 560 : index
        %swap3A_494 = tpu.vector_load %arg12[%swap3A_492, %swap3A_493] {strides = array<i32>} : memref<16x768xf32, #tpu.memory_space<vmem>>, vector<16xf32>,
        tpu.vector_store %arg12[%swap3A_492, %swap3A_493], %add3A_491 {strides = array<i32>} : memref<16x768xf32, #tpu.memory_space<vmem>>, vector<16xf32>,
        %add3A_495 = arith.addf %add3A_482, %add3A_491 : vector<16xf32>
        %mul3A_496 = arith.mulf %add3A_491, %add3A_491 : vector<16xf32>
        %add3A_497 = arith.addf %add3A_484, %mul3A_496 : vector<16xf32>
        %get3A_498 = arith.index_cast %add3A_28 : i32 to index
        %get3A_499 = arith.constant 576 : index
        %get3A_500 = tpu.vector_load %arg12[%get3A_498, %get3A_499] {strides = array<i32>} : memref<16x768xf32, #tpu.memory_space<vmem>>, vector<16xf32>,
        %get3A_501 = arith.index_cast %add3A_28 : i32 to index
        %get3A_502 = arith.constant 576 : index
        %get3A_503 = tpu.vector_load %arg8[%get3A_501, %get3A_502] {strides = array<i32>} : memref<16x768xf32, #tpu.memory_space<vmem>>, vector<16xf32>,
        %add3A_504 = arith.addf %get3A_500, %get3A_503 : vector<16xf32>
        %swap3A_505 = arith.index_cast %add3A_28 : i32 to index
        %swap3A_506 = arith.constant 576 : index
        %swap3A_507 = tpu.vector_load %arg12[%swap3A_505, %swap3A_506] {strides = array<i32>} : memref<16x768xf32, #tpu.memory_space<vmem>>, vector<16xf32>,
        tpu.vector_store %arg12[%swap3A_505, %swap3A_506], %add3A_504 {strides = array<i32>} : memref<16x768xf32, #tpu.memory_space<vmem>>, vector<16xf32>,
        %add3A_508 = arith.addf %add3A_495, %add3A_504 : vector<16xf32>
        %mul3A_509 = arith.mulf %add3A_504, %add3A_504 : vector<16xf32>
        %add3A_510 = arith.addf %add3A_497, %mul3A_509 : vector<16xf32>
        %get3A_511 = arith.index_cast %add3A_28 : i32 to index
        %get3A_512 = arith.constant 592 : index
        %get3A_513 = tpu.vector_load %arg12[%get3A_511, %get3A_512] {strides = array<i32>} : memref<16x768xf32, #tpu.memory_space<vmem>>, vector<16xf32>,
        %get3A_514 = arith.index_cast %add3A_28 : i32 to index
        %get3A_515 = arith.constant 592 : index
        %get3A_516 = tpu.vector_load %arg8[%get3A_514, %get3A_515] {strides = array<i32>} : memref<16x768xf32, #tpu.memory_space<vmem>>, vector<16xf32>,
        %add3A_517 = arith.addf %get3A_513, %get3A_516 : vector<16xf32>
        %swap3A_518 = arith.index_cast %add3A_28 : i32 to index
        %swap3A_519 = arith.constant 592 : index
        %swap3A_520 = tpu.vector_load %arg12[%swap3A_518, %swap3A_519] {strides = array<i32>} : memref<16x768xf32, #tpu.memory_space<vmem>>, vector<16xf32>,
        tpu.vector_store %arg12[%swap3A_518, %swap3A_519], %add3A_517 {strides = array<i32>} : memref<16x768xf32, #tpu.memory_space<vmem>>, vector<16xf32>,
        %add3A_521 = arith.addf %add3A_508, %add3A_517 : vector<16xf32>
        %mul3A_522 = arith.mulf %add3A_517, %add3A_517 : vector<16xf32>
        %add3A_523 = arith.addf %add3A_510, %mul3A_522 : vector<16xf32>
        %get3A_524 = arith.index_cast %add3A_28 : i32 to index
        %get3A_525 = arith.constant 608 : index
        %get3A_526 = tpu.vector_load %arg12[%get3A_524, %get3A_525] {strides = array<i32>} : memref<16x768xf32, #tpu.memory_space<vmem>>, vector<16xf32>,
        %get3A_527 = arith.index_cast %add3A_28 : i32 to index
        %get3A_528 = arith.constant 608 : index
        %get3A_529 = tpu.vector_load %arg8[%get3A_527, %get3A_528] {strides = array<i32>} : memref<16x768xf32, #tpu.memory_space<vmem>>, vector<16xf32>,
        %add3A_530 = arith.addf %get3A_526, %get3A_529 : vector<16xf32>
        %swap3A_531 = arith.index_cast %add3A_28 : i32 to index
        %swap3A_532 = arith.constant 608 : index
        %swap3A_533 = tpu.vector_load %arg12[%swap3A_531, %swap3A_532] {strides = array<i32>} : memref<16x768xf32, #tpu.memory_space<vmem>>, vector<16xf32>,
        tpu.vector_store %arg12[%swap3A_531, %swap3A_532], %add3A_530 {strides = array<i32>} : memref<16x768xf32, #tpu.memory_space<vmem>>, vector<16xf32>,
        %add3A_534 = arith.addf %add3A_521, %add3A_530 : vector<16xf32>
        %mul3A_535 = arith.mulf %add3A_530, %add3A_530 : vector<16xf32>
        %add3A_536 = arith.addf %add3A_523, %mul3A_535 : vector<16xf32>
        %get3A_537 = arith.index_cast %add3A_28 : i32 to index
        %get3A_538 = arith.constant 624 : index
        %get3A_539 = tpu.vector_load %arg12[%get3A_537, %get3A_538] {strides = array<i32>} : memref<16x768xf32, #tpu.memory_space<vmem>>, vector<16xf32>,
        %get3A_540 = arith.index_cast %add3A_28 : i32 to index
        %get3A_541 = arith.constant 624 : index
        %get3A_542 = tpu.vector_load %arg8[%get3A_540, %get3A_541] {strides = array<i32>} : memref<16x768xf32, #tpu.memory_space<vmem>>, vector<16xf32>,
        %add3A_543 = arith.addf %get3A_539, %get3A_542 : vector<16xf32>
        %swap3A_544 = arith.index_cast %add3A_28 : i32 to index
        %swap3A_545 = arith.constant 624 : index
        %swap3A_546 = tpu.vector_load %arg12[%swap3A_544, %swap3A_545] {strides = array<i32>} : memref<16x768xf32, #tpu.memory_space<vmem>>, vector<16xf32>,
        tpu.vector_store %arg12[%swap3A_544, %swap3A_545], %add3A_543 {strides = array<i32>} : memref<16x768xf32, #tpu.memory_space<vmem>>, vector<16xf32>,
        %add3A_547 = arith.addf %add3A_534, %add3A_543 : vector<16xf32>
        %mul3A_548 = arith.mulf %add3A_543, %add3A_543 : vector<16xf32>
        %add3A_549 = arith.addf %add3A_536, %mul3A_548 : vector<16xf32>
        %get3A_550 = arith.index_cast %add3A_28 : i32 to index
        %get3A_551 = arith.constant 640 : index
        %get3A_552 = tpu.vector_load %arg12[%get3A_550, %get3A_551] {strides = array<i32>} : memref<16x768xf32, #tpu.memory_space<vmem>>, vector<16xf32>,
        %get3A_553 = arith.index_cast %add3A_28 : i32 to index
        %get3A_554 = arith.constant 640 : index
        %get3A_555 = tpu.vector_load %arg8[%get3A_553, %get3A_554] {strides = array<i32>} : memref<16x768xf32, #tpu.memory_space<vmem>>, vector<16xf32>,
        %add3A_556 = arith.addf %get3A_552, %get3A_555 : vector<16xf32>
        %swap3A_557 = arith.index_cast %add3A_28 : i32 to index
        %swap3A_558 = arith.constant 640 : index
        %swap3A_559 = tpu.vector_load %arg12[%swap3A_557, %swap3A_558] {strides = array<i32>} : memref<16x768xf32, #tpu.memory_space<vmem>>, vector<16xf32>,
        tpu.vector_store %arg12[%swap3A_557, %swap3A_558], %add3A_556 {strides = array<i32>} : memref<16x768xf32, #tpu.memory_space<vmem>>, vector<16xf32>,
        %add3A_560 = arith.addf %add3A_547, %add3A_556 : vector<16xf32>
        %mul3A_561 = arith.mulf %add3A_556, %add3A_556 : vector<16xf32>
        %add3A_562 = arith.addf %add3A_549, %mul3A_561 : vector<16xf32>
        %get3A_563 = arith.index_cast %add3A_28 : i32 to index
        %get3A_564 = arith.constant 656 : index
        %get3A_565 = tpu.vector_load %arg12[%get3A_563, %get3A_564] {strides = array<i32>} : memref<16x768xf32, #tpu.memory_space<vmem>>, vector<16xf32>,
        %get3A_566 = arith.index_cast %add3A_28 : i32 to index
        %get3A_567 = arith.constant 656 : index
        %get3A_568 = tpu.vector_load %arg8[%get3A_566, %get3A_567] {strides = array<i32>} : memref<16x768xf32, #tpu.memory_space<vmem>>, vector<16xf32>,
        %add3A_569 = arith.addf %get3A_565, %get3A_568 : vector<16xf32>
        %swap3A_570 = arith.index_cast %add3A_28 : i32 to index
        %swap3A_571 = arith.constant 656 : index
        %swap3A_572 = tpu.vector_load %arg12[%swap3A_570, %swap3A_571] {strides = array<i32>} : memref<16x768xf32, #tpu.memory_space<vmem>>, vector<16xf32>,
        tpu.vector_store %arg12[%swap3A_570, %swap3A_571], %add3A_569 {strides = array<i32>} : memref<16x768xf32, #tpu.memory_space<vmem>>, vector<16xf32>,
        %add3A_573 = arith.addf %add3A_560, %add3A_569 : vector<16xf32>
        %mul3A_574 = arith.mulf %add3A_569, %add3A_569 : vector<16xf32>
        %add3A_575 = arith.addf %add3A_562, %mul3A_574 : vector<16xf32>
        %get3A_576 = arith.index_cast %add3A_28 : i32 to index
        %get3A_577 = arith.constant 672 : index
        %get3A_578 = tpu.vector_load %arg12[%get3A_576, %get3A_577] {strides = array<i32>} : memref<16x768xf32, #tpu.memory_space<vmem>>, vector<16xf32>,
        %get3A_579 = arith.index_cast %add3A_28 : i32 to index
        %get3A_580 = arith.constant 672 : index
        %get3A_581 = tpu.vector_load %arg8[%get3A_579, %get3A_580] {strides = array<i32>} : memref<16x768xf32, #tpu.memory_space<vmem>>, vector<16xf32>,
        %add3A_582 = arith.addf %get3A_578, %get3A_581 : vector<16xf32>
        %swap3A_583 = arith.index_cast %add3A_28 : i32 to index
        %swap3A_584 = arith.constant 672 : index
        %swap3A_585 = tpu.vector_load %arg12[%swap3A_583, %swap3A_584] {strides = array<i32>} : memref<16x768xf32, #tpu.memory_space<vmem>>, vector<16xf32>,
        tpu.vector_store %arg12[%swap3A_583, %swap3A_584], %add3A_582 {strides = array<i32>} : memref<16x768xf32, #tpu.memory_space<vmem>>, vector<16xf32>,
        %add3A_586 = arith.addf %add3A_573, %add3A_582 : vector<16xf32>
        %mul3A_587 = arith.mulf %add3A_582, %add3A_582 : vector<16xf32>
        %add3A_588 = arith.addf %add3A_575, %mul3A_587 : vector<16xf32>
        %get3A_589 = arith.index_cast %add3A_28 : i32 to index
        %get3A_590 = arith.constant 688 : index
        %get3A_591 = tpu.vector_load %arg12[%get3A_589, %get3A_590] {strides = array<i32>} : memref<16x768xf32, #tpu.memory_space<vmem>>, vector<16xf32>,
        %get3A_592 = arith.index_cast %add3A_28 : i32 to index
        %get3A_593 = arith.constant 688 : index
        %get3A_594 = tpu.vector_load %arg8[%get3A_592, %get3A_593] {strides = array<i32>} : memref<16x768xf32, #tpu.memory_space<vmem>>, vector<16xf32>,
        %add3A_595 = arith.addf %get3A_591, %get3A_594 : vector<16xf32>
        %swap3A_596 = arith.index_cast %add3A_28 : i32 to index
        %swap3A_597 = arith.constant 688 : index
        %swap3A_598 = tpu.vector_load %arg12[%swap3A_596, %swap3A_597] {strides = array<i32>} : memref<16x768xf32, #tpu.memory_space<vmem>>, vector<16xf32>,
        tpu.vector_store %arg12[%swap3A_596, %swap3A_597], %add3A_595 {strides = array<i32>} : memref<16x768xf32, #tpu.memory_space<vmem>>, vector<16xf32>,
        %add3A_599 = arith.addf %add3A_586, %add3A_595 : vector<16xf32>
        %mul3A_600 = arith.mulf %add3A_595, %add3A_595 : vector<16xf32>
        %add3A_601 = arith.addf %add3A_588, %mul3A_600 : vector<16xf32>
        %get3A_602 = arith.index_cast %add3A_28 : i32 to index
        %get3A_603 = arith.constant 704 : index
        %get3A_604 = tpu.vector_load %arg12[%get3A_602, %get3A_603] {strides = array<i32>} : memref<16x768xf32, #tpu.memory_space<vmem>>, vector<16xf32>,
        %get3A_605 = arith.index_cast %add3A_28 : i32 to index
        %get3A_606 = arith.constant 704 : index
        %get3A_607 = tpu.vector_load %arg8[%get3A_605, %get3A_606] {strides = array<i32>} : memref<16x768xf32, #tpu.memory_space<vmem>>, vector<16xf32>,
        %add3A_608 = arith.addf %get3A_604, %get3A_607 : vector<16xf32>
        %swap3A_609 = arith.index_cast %add3A_28 : i32 to index
        %swap3A_610 = arith.constant 704 : index
        %swap3A_611 = tpu.vector_load %arg12[%swap3A_609, %swap3A_610] {strides = array<i32>} : memref<16x768xf32, #tpu.memory_space<vmem>>, vector<16xf32>,
        tpu.vector_store %arg12[%swap3A_609, %swap3A_610], %add3A_608 {strides = array<i32>} : memref<16x768xf32, #tpu.memory_space<vmem>>, vector<16xf32>,
        %add3A_612 = arith.addf %add3A_599, %add3A_608 : vector<16xf32>
        %mul3A_613 = arith.mulf %add3A_608, %add3A_608 : vector<16xf32>
        %add3A_614 = arith.addf %add3A_601, %mul3A_613 : vector<16xf32>
        %get3A_615 = arith.index_cast %add3A_28 : i32 to index
        %get3A_616 = arith.constant 720 : index
        %get3A_617 = tpu.vector_load %arg12[%get3A_615, %get3A_616] {strides = array<i32>} : memref<16x768xf32, #tpu.memory_space<vmem>>, vector<16xf32>,
        %get3A_618 = arith.index_cast %add3A_28 : i32 to index
        %get3A_619 = arith.constant 720 : index
        %get3A_620 = tpu.vector_load %arg8[%get3A_618, %get3A_619] {strides = array<i32>} : memref<16x768xf32, #tpu.memory_space<vmem>>, vector<16xf32>,
        %add3A_621 = arith.addf %get3A_617, %get3A_620 : vector<16xf32>
        %swap3A_622 = arith.index_cast %add3A_28 : i32 to index
        %swap3A_623 = arith.constant 720 : index
        %swap3A_624 = tpu.vector_load %arg12[%swap3A_622, %swap3A_623] {strides = array<i32>} : memref<16x768xf32, #tpu.memory_space<vmem>>, vector<16xf32>,
        tpu.vector_store %arg12[%swap3A_622, %swap3A_623], %add3A_621 {strides = array<i32>} : memref<16x768xf32, #tpu.memory_space<vmem>>, vector<16xf32>,
        %add3A_625 = arith.addf %add3A_612, %add3A_621 : vector<16xf32>
        %mul3A_626 = arith.mulf %add3A_621, %add3A_621 : vector<16xf32>
        %add3A_627 = arith.addf %add3A_614, %mul3A_626 : vector<16xf32>
        %get3A_628 = arith.index_cast %add3A_28 : i32 to index
        %get3A_629 = arith.constant 736 : index
        %get3A_630 = tpu.vector_load %arg12[%get3A_628, %get3A_629] {strides = array<i32>} : memref<16x768xf32, #tpu.memory_space<vmem>>, vector<16xf32>,
        %get3A_631 = arith.index_cast %add3A_28 : i32 to index
        %get3A_632 = arith.constant 736 : index
        %get3A_633 = tpu.vector_load %arg8[%get3A_631, %get3A_632] {strides = array<i32>} : memref<16x768xf32, #tpu.memory_space<vmem>>, vector<16xf32>,
        %add3A_634 = arith.addf %get3A_630, %get3A_633 : vector<16xf32>
        %swap3A_635 = arith.index_cast %add3A_28 : i32 to index
        %swap3A_636 = arith.constant 736 : index
        %swap3A_637 = tpu.vector_load %arg12[%swap3A_635, %swap3A_636] {strides = array<i32>} : memref<16x768xf32, #tpu.memory_space<vmem>>, vector<16xf32>,
        tpu.vector_store %arg12[%swap3A_635, %swap3A_636], %add3A_634 {strides = array<i32>} : memref<16x768xf32, #tpu.memory_space<vmem>>, vector<16xf32>,
        %add3A_638 = arith.addf %add3A_625, %add3A_634 : vector<16xf32>
        %mul3A_639 = arith.mulf %add3A_634, %add3A_634 : vector<16xf32>
        %add3A_640 = arith.addf %add3A_627, %mul3A_639 : vector<16xf32>
        %get3A_641 = arith.index_cast %add3A_28 : i32 to index
        %get3A_642 = arith.constant 752 : index
        %get3A_643 = tpu.vector_load %arg12[%get3A_641, %get3A_642] {strides = array<i32>} : memref<16x768xf32, #tpu.memory_space<vmem>>, vector<16xf32>,
        %get3A_644 = arith.index_cast %add3A_28 : i32 to index
        %get3A_645 = arith.constant 752 : index
        %get3A_646 = tpu.vector_load %arg8[%get3A_644, %get3A_645] {strides = array<i32>} : memref<16x768xf32, #tpu.memory_space<vmem>>, vector<16xf32>,
        %add3A_647 = arith.addf %get3A_643, %get3A_646 : vector<16xf32>
        %swap3A_648 = arith.index_cast %add3A_28 : i32 to index
        %swap3A_649 = arith.constant 752 : index
        %swap3A_650 = tpu.vector_load %arg12[%swap3A_648, %swap3A_649] {strides = array<i32>} : memref<16x768xf32, #tpu.memory_space<vmem>>, vector<16xf32>,
        tpu.vector_store %arg12[%swap3A_648, %swap3A_649], %add3A_647 {strides = array<i32>} : memref<16x768xf32, #tpu.memory_space<vmem>>, vector<16xf32>,
        %add3A_651 = arith.addf %add3A_638, %add3A_647 : vector<16xf32>
        %mul3A_652 = arith.mulf %add3A_647, %add3A_647 : vector<16xf32>
        %add3A_653 = arith.addf %add3A_640, %mul3A_652 : vector<16xf32>
        %reduce_sum3A = arith.constant true
        %reduce_sum3A_654 = vector.broadcast %reduce_sum3A : i1 to vector<16xi1>
        %reduce_sum3A_655 = tpu.scan <sum>, %add3A_651 masked %reduce_sum3A_654 : vector<16xf32>, vector<16xi1> -> vector<16xf32>
        %reduce_sum3A_656 = vector.extract %reduce_sum3A_655[15] : f32 from vector<16xf32>
        %mul3A_657 = arith.constant 0.00130208337 : f32
        %mul3A_658 = arith.mulf %reduce_sum3A_656, %mul3A_657 : f32
        %reduce_sum3A_659 = arith.constant true
        %reduce_sum3A_660 = vector.broadcast %reduce_sum3A_659 : i1 to vector<16xi1>
        %reduce_sum3A_661 = tpu.scan <sum>, %add3A_653 masked %reduce_sum3A_660 : vector<16xf32>, vector<16xi1> -> vector<16xf32>
        %reduce_sum3A_662 = vector.extract %reduce_sum3A_661[15] : f32 from vector<16xf32>
        %mul3A_663 = arith.constant 0.00130208337 : f32
        %mul3A_664 = arith.mulf %reduce_sum3A_662, %mul3A_663 : f32
        %mul3A_665 = arith.mulf %mul3A_658, %mul3A_658 : f32
        %sub3A = arith.subf %mul3A_664, %mul3A_665 : f32
        %add3A_666 = arith.constant 9.99999996E-13 : f32
        %add3A_667 = arith.addf %sub3A, %add3A_666 : f32
        %broadcast_in_dim3A_668 = vector.broadcast %add3A_667 : f32 to vector<16xf32>
        %bitcast3A = vector.bitcast %broadcast_in_dim3A_668 : vector<16xf32> to vector<16xi32>
        %shift_right_arithmetic3A = arith.constant 1 : i32
        %shift_right_arithmetic3A_669 = vector.broadcast %shift_right_arithmetic3A : i32 to vector<16xi32>
        %shift_right_arithmetic3A_670 = arith.shrsi %bitcast3A, %shift_right_arithmetic3A_669 : vector<16xi32>
        %sub3A_671 = arith.constant 1597463007 : i32
        %sub3A_672 = vector.broadcast %sub3A_671 : i32 to vector<16xi32>
        %sub3A_673 = arith.subi %sub3A_672, %shift_right_arithmetic3A_670 : vector<16xi32>
        %bitcast3A_674 = vector.bitcast %sub3A_673 : vector<16xi32> to vector<16xf32>
        %mul3A_675 = arith.constant 5.000000e-01 : f32
        %mul3A_676 = vector.broadcast %mul3A_675 : f32 to vector<16xf32>
        %mul3A_677 = arith.mulf %mul3A_676, %broadcast_in_dim3A_668 : vector<16xf32>
        %mul3A_678 = arith.mulf %mul3A_677, %bitcast3A_674 : vector<16xf32>
        %mul3A_679 = arith.mulf %mul3A_678, %bitcast3A_674 : vector<16xf32>
        %sub3A_680 = arith.constant 1.500000e+00 : f32
        %sub3A_681 = vector.broadcast %sub3A_680 : f32 to vector<16xf32>
        %sub3A_682 = arith.subf %sub3A_681, %mul3A_679 : vector<16xf32>
        %mul3A_683 = arith.mulf %bitcast3A_674, %sub3A_682 : vector<16xf32>
        %mul3A_684 = arith.constant 5.000000e-01 : f32
        %mul3A_685 = vector.broadcast %mul3A_684 : f32 to vector<16xf32>
        %mul3A_686 = arith.mulf %mul3A_685, %broadcast_in_dim3A_668 : vector<16xf32>
        %mul3A_687 = arith.mulf %mul3A_686, %mul3A_683 : vector<16xf32>
        %mul3A_688 = arith.mulf %mul3A_687, %mul3A_683 : vector<16xf32>
        %sub3A_689 = arith.constant 1.500000e+00 : f32
        %sub3A_690 = vector.broadcast %sub3A_689 : f32 to vector<16xf32>
        %sub3A_691 = arith.subf %sub3A_690, %mul3A_688 : vector<16xf32>
        %mul3A_692 = arith.mulf %mul3A_683, %sub3A_691 : vector<16xf32>
        %mul3A_693 = arith.constant 5.000000e-01 : f32
        %mul3A_694 = vector.broadcast %mul3A_693 : f32 to vector<16xf32>
        %mul3A_695 = arith.mulf %mul3A_694, %broadcast_in_dim3A_668 : vector<16xf32>
        %mul3A_696 = arith.mulf %mul3A_695, %mul3A_692 : vector<16xf32>
        %mul3A_697 = arith.mulf %mul3A_696, %mul3A_692 : vector<16xf32>
        %sub3A_698 = arith.constant 1.500000e+00 : f32
        %sub3A_699 = vector.broadcast %sub3A_698 : f32 to vector<16xf32>
        %sub3A_700 = arith.subf %sub3A_699, %mul3A_697 : vector<16xf32>
        %mul3A_701 = arith.mulf %mul3A_692, %sub3A_700 : vector<16xf32>
        %broadcast_in_dim3A_702 = vector.broadcast %mul3A_658 : f32 to vector<16xf32>
        %get3A_703 = arith.index_cast %add3A_28 : i32 to index
        %get3A_704 = arith.constant 0 : index
        %get3A_705 = tpu.vector_load %arg12[%get3A_703, %get3A_704] {strides = array<i32>} : memref<16x768xf32, #tpu.memory_space<vmem>>, vector<16xf32>,
        %sub3A_706 = arith.subf %get3A_705, %broadcast_in_dim3A_702 : vector<16xf32>
        %mul3A_707 = arith.mulf %sub3A_706, %mul3A_701 : vector<16xf32>
        %get3A_708 = arith.constant 0 : index
        %get3A_709 = tpu.vector_load %arg9[%get3A_708] {strides = array<i32>} : memref<768xf32, #tpu.memory_space<vmem>>, vector<16xf32>,
        %mul3A_710 = arith.mulf %mul3A_707, %get3A_709 : vector<16xf32>
        %get3A_711 = arith.constant 0 : index
        %get3A_712 = tpu.vector_load %arg10[%get3A_711] {strides = array<i32>} : memref<768xf32, #tpu.memory_space<vmem>>, vector<16xf32>,
        %add3A_713 = arith.addf %mul3A_710, %get3A_712 : vector<16xf32>
        %swap3A_714 = arith.index_cast %add3A_28 : i32 to index
        %swap3A_715 = arith.constant 0 : index
        %swap3A_716 = tpu.vector_load %arg12[%swap3A_714, %swap3A_715] {strides = array<i32>} : memref<16x768xf32, #tpu.memory_space<vmem>>, vector<16xf32>,
        tpu.vector_store %arg12[%swap3A_714, %swap3A_715], %add3A_713 {strides = array<i32>} : memref<16x768xf32, #tpu.memory_space<vmem>>, vector<16xf32>,
        %get3A_717 = arith.index_cast %add3A_28 : i32 to index
        %get3A_718 = arith.constant 16 : index
        %get3A_719 = tpu.vector_load %arg12[%get3A_717, %get3A_718] {strides = array<i32>} : memref<16x768xf32, #tpu.memory_space<vmem>>, vector<16xf32>,
        %sub3A_720 = arith.subf %get3A_719, %broadcast_in_dim3A_702 : vector<16xf32>
        %mul3A_721 = arith.mulf %sub3A_720, %mul3A_701 : vector<16xf32>
        %get3A_722 = arith.constant 16 : index
        %get3A_723 = tpu.vector_load %arg9[%get3A_722] {strides = array<i32>} : memref<768xf32, #tpu.memory_space<vmem>>, vector<16xf32>,
        %mul3A_724 = arith.mulf %mul3A_721, %get3A_723 : vector<16xf32>
        %get3A_725 = arith.constant 16 : index
        %get3A_726 = tpu.vector_load %arg10[%get3A_725] {strides = array<i32>} : memref<768xf32, #tpu.memory_space<vmem>>, vector<16xf32>,
        %add3A_727 = arith.addf %mul3A_724, %get3A_726 : vector<16xf32>
        %swap3A_728 = arith.index_cast %add3A_28 : i32 to index
        %swap3A_729 = arith.constant 16 : index
        %swap3A_730 = tpu.vector_load %arg12[%swap3A_728, %swap3A_729] {strides = array<i32>} : memref<16x768xf32, #tpu.memory_space<vmem>>, vector<16xf32>,
        tpu.vector_store %arg12[%swap3A_728, %swap3A_729], %add3A_727 {strides = array<i32>} : memref<16x768xf32, #tpu.memory_space<vmem>>, vector<16xf32>,
        %get3A_731 = arith.index_cast %add3A_28 : i32 to index
        %get3A_732 = arith.constant 32 : index
        %get3A_733 = tpu.vector_load %arg12[%get3A_731, %get3A_732] {strides = array<i32>} : memref<16x768xf32, #tpu.memory_space<vmem>>, vector<16xf32>,
        %sub3A_734 = arith.subf %get3A_733, %broadcast_in_dim3A_702 : vector<16xf32>
        %mul3A_735 = arith.mulf %sub3A_734, %mul3A_701 : vector<16xf32>
        %get3A_736 = arith.constant 32 : index
        %get3A_737 = tpu.vector_load %arg9[%get3A_736] {strides = array<i32>} : memref<768xf32, #tpu.memory_space<vmem>>, vector<16xf32>,
        %mul3A_738 = arith.mulf %mul3A_735, %get3A_737 : vector<16xf32>
        %get3A_739 = arith.constant 32 : index
        %get3A_740 = tpu.vector_load %arg10[%get3A_739] {strides = array<i32>} : memref<768xf32, #tpu.memory_space<vmem>>, vector<16xf32>,
        %add3A_741 = arith.addf %mul3A_738, %get3A_740 : vector<16xf32>
        %swap3A_742 = arith.index_cast %add3A_28 : i32 to index
        %swap3A_743 = arith.constant 32 : index
        %swap3A_744 = tpu.vector_load %arg12[%swap3A_742, %swap3A_743] {strides = array<i32>} : memref<16x768xf32, #tpu.memory_space<vmem>>, vector<16xf32>,
        tpu.vector_store %arg12[%swap3A_742, %swap3A_743], %add3A_741 {strides = array<i32>} : memref<16x768xf32, #tpu.memory_space<vmem>>, vector<16xf32>,
        %get3A_745 = arith.index_cast %add3A_28 : i32 to index
        %get3A_746 = arith.constant 48 : index
        %get3A_747 = tpu.vector_load %arg12[%get3A_745, %get3A_746] {strides = array<i32>} : memref<16x768xf32, #tpu.memory_space<vmem>>, vector<16xf32>,
        %sub3A_748 = arith.subf %get3A_747, %broadcast_in_dim3A_702 : vector<16xf32>
        %mul3A_749 = arith.mulf %sub3A_748, %mul3A_701 : vector<16xf32>
        %get3A_750 = arith.constant 48 : index
        %get3A_751 = tpu.vector_load %arg9[%get3A_750] {strides = array<i32>} : memref<768xf32, #tpu.memory_space<vmem>>, vector<16xf32>,
        %mul3A_752 = arith.mulf %mul3A_749, %get3A_751 : vector<16xf32>
        %get3A_753 = arith.constant 48 : index
        %get3A_754 = tpu.vector_load %arg10[%get3A_753] {strides = array<i32>} : memref<768xf32, #tpu.memory_space<vmem>>, vector<16xf32>,
        %add3A_755 = arith.addf %mul3A_752, %get3A_754 : vector<16xf32>
        %swap3A_756 = arith.index_cast %add3A_28 : i32 to index
        %swap3A_757 = arith.constant 48 : index
        %swap3A_758 = tpu.vector_load %arg12[%swap3A_756, %swap3A_757] {strides = array<i32>} : memref<16x768xf32, #tpu.memory_space<vmem>>, vector<16xf32>,
        tpu.vector_store %arg12[%swap3A_756, %swap3A_757], %add3A_755 {strides = array<i32>} : memref<16x768xf32, #tpu.memory_space<vmem>>, vector<16xf32>,
        %get3A_759 = arith.index_cast %add3A_28 : i32 to index
        %get3A_760 = arith.constant 64 : index
        %get3A_761 = tpu.vector_load %arg12[%get3A_759, %get3A_760] {strides = array<i32>} : memref<16x768xf32, #tpu.memory_space<vmem>>, vector<16xf32>,
        %sub3A_762 = arith.subf %get3A_761, %broadcast_in_dim3A_702 : vector<16xf32>
        %mul3A_763 = arith.mulf %sub3A_762, %mul3A_701 : vector<16xf32>
        %get3A_764 = arith.constant 64 : index
        %get3A_765 = tpu.vector_load %arg9[%get3A_764] {strides = array<i32>} : memref<768xf32, #tpu.memory_space<vmem>>, vector<16xf32>,
        %mul3A_766 = arith.mulf %mul3A_763, %get3A_765 : vector<16xf32>
        %get3A_767 = arith.constant 64 : index
        %get3A_768 = tpu.vector_load %arg10[%get3A_767] {strides = array<i32>} : memref<768xf32, #tpu.memory_space<vmem>>, vector<16xf32>,
        %add3A_769 = arith.addf %mul3A_766, %get3A_768 : vector<16xf32>
        %swap3A_770 = arith.index_cast %add3A_28 : i32 to index
        %swap3A_771 = arith.constant 64 : index
        %swap3A_772 = tpu.vector_load %arg12[%swap3A_770, %swap3A_771] {strides = array<i32>} : memref<16x768xf32, #tpu.memory_space<vmem>>, vector<16xf32>,
        tpu.vector_store %arg12[%swap3A_770, %swap3A_771], %add3A_769 {strides = array<i32>} : memref<16x768xf32, #tpu.memory_space<vmem>>, vector<16xf32>,
        %get3A_773 = arith.index_cast %add3A_28 : i32 to index
        %get3A_774 = arith.constant 80 : index
        %get3A_775 = tpu.vector_load %arg12[%get3A_773, %get3A_774] {strides = array<i32>} : memref<16x768xf32, #tpu.memory_space<vmem>>, vector<16xf32>,
        %sub3A_776 = arith.subf %get3A_775, %broadcast_in_dim3A_702 : vector<16xf32>
        %mul3A_777 = arith.mulf %sub3A_776, %mul3A_701 : vector<16xf32>
        %get3A_778 = arith.constant 80 : index
        %get3A_779 = tpu.vector_load %arg9[%get3A_778] {strides = array<i32>} : memref<768xf32, #tpu.memory_space<vmem>>, vector<16xf32>,
        %mul3A_780 = arith.mulf %mul3A_777, %get3A_779 : vector<16xf32>
        %get3A_781 = arith.constant 80 : index
        %get3A_782 = tpu.vector_load %arg10[%get3A_781] {strides = array<i32>} : memref<768xf32, #tpu.memory_space<vmem>>, vector<16xf32>,
        %add3A_783 = arith.addf %mul3A_780, %get3A_782 : vector<16xf32>
        %swap3A_784 = arith.index_cast %add3A_28 : i32 to index
        %swap3A_785 = arith.constant 80 : index
        %swap3A_786 = tpu.vector_load %arg12[%swap3A_784, %swap3A_785] {strides = array<i32>} : memref<16x768xf32, #tpu.memory_space<vmem>>, vector<16xf32>,
        tpu.vector_store %arg12[%swap3A_784, %swap3A_785], %add3A_783 {strides = array<i32>} : memref<16x768xf32, #tpu.memory_space<vmem>>, vector<16xf32>,
        %get3A_787 = arith.index_cast %add3A_28 : i32 to index
        %get3A_788 = arith.constant 96 : index
        %get3A_789 = tpu.vector_load %arg12[%get3A_787, %get3A_788] {strides = array<i32>} : memref<16x768xf32, #tpu.memory_space<vmem>>, vector<16xf32>,
        %sub3A_790 = arith.subf %get3A_789, %broadcast_in_dim3A_702 : vector<16xf32>
        %mul3A_791 = arith.mulf %sub3A_790, %mul3A_701 : vector<16xf32>
        %get3A_792 = arith.constant 96 : index
        %get3A_793 = tpu.vector_load %arg9[%get3A_792] {strides = array<i32>} : memref<768xf32, #tpu.memory_space<vmem>>, vector<16xf32>,
        %mul3A_794 = arith.mulf %mul3A_791, %get3A_793 : vector<16xf32>
        %get3A_795 = arith.constant 96 : index
        %get3A_796 = tpu.vector_load %arg10[%get3A_795] {strides = array<i32>} : memref<768xf32, #tpu.memory_space<vmem>>, vector<16xf32>,
        %add3A_797 = arith.addf %mul3A_794, %get3A_796 : vector<16xf32>
        %swap3A_798 = arith.index_cast %add3A_28 : i32 to index
        %swap3A_799 = arith.constant 96 : index
        %swap3A_800 = tpu.vector_load %arg12[%swap3A_798, %swap3A_799] {strides = array<i32>} : memref<16x768xf32, #tpu.memory_space<vmem>>, vector<16xf32>,
        tpu.vector_store %arg12[%swap3A_798, %swap3A_799], %add3A_797 {strides = array<i32>} : memref<16x768xf32, #tpu.memory_space<vmem>>, vector<16xf32>,
        %get3A_801 = arith.index_cast %add3A_28 : i32 to index
        %get3A_802 = arith.constant 112 : index
        %get3A_803 = tpu.vector_load %arg12[%get3A_801, %get3A_802] {strides = array<i32>} : memref<16x768xf32, #tpu.memory_space<vmem>>, vector<16xf32>,
        %sub3A_804 = arith.subf %get3A_803, %broadcast_in_dim3A_702 : vector<16xf32>
        %mul3A_805 = arith.mulf %sub3A_804, %mul3A_701 : vector<16xf32>
        %get3A_806 = arith.constant 112 : index
        %get3A_807 = tpu.vector_load %arg9[%get3A_806] {strides = array<i32>} : memref<768xf32, #tpu.memory_space<vmem>>, vector<16xf32>,
        %mul3A_808 = arith.mulf %mul3A_805, %get3A_807 : vector<16xf32>
        %get3A_809 = arith.constant 112 : index
        %get3A_810 = tpu.vector_load %arg10[%get3A_809] {strides = array<i32>} : memref<768xf32, #tpu.memory_space<vmem>>, vector<16xf32>,
        %add3A_811 = arith.addf %mul3A_808, %get3A_810 : vector<16xf32>
        %swap3A_812 = arith.index_cast %add3A_28 : i32 to index
        %swap3A_813 = arith.constant 112 : index
        %swap3A_814 = tpu.vector_load %arg12[%swap3A_812, %swap3A_813] {strides = array<i32>} : memref<16x768xf32, #tpu.memory_space<vmem>>, vector<16xf32>,
        tpu.vector_store %arg12[%swap3A_812, %swap3A_813], %add3A_811 {strides = array<i32>} : memref<16x768xf32, #tpu.memory_space<vmem>>, vector<16xf32>,
        %get3A_815 = arith.index_cast %add3A_28 : i32 to index
        %get3A_816 = arith.constant 128 : index
        %get3A_817 = tpu.vector_load %arg12[%get3A_815, %get3A_816] {strides = array<i32>} : memref<16x768xf32, #tpu.memory_space<vmem>>, vector<16xf32>,
        %sub3A_818 = arith.subf %get3A_817, %broadcast_in_dim3A_702 : vector<16xf32>
        %mul3A_819 = arith.mulf %sub3A_818, %mul3A_701 : vector<16xf32>
        %get3A_820 = arith.constant 128 : index
        %get3A_821 = tpu.vector_load %arg9[%get3A_820] {strides = array<i32>} : memref<768xf32, #tpu.memory_space<vmem>>, vector<16xf32>,
        %mul3A_822 = arith.mulf %mul3A_819, %get3A_821 : vector<16xf32>
        %get3A_823 = arith.constant 128 : index
        %get3A_824 = tpu.vector_load %arg10[%get3A_823] {strides = array<i32>} : memref<768xf32, #tpu.memory_space<vmem>>, vector<16xf32>,
        %add3A_825 = arith.addf %mul3A_822, %get3A_824 : vector<16xf32>
        %swap3A_826 = arith.index_cast %add3A_28 : i32 to index
        %swap3A_827 = arith.constant 128 : index
        %swap3A_828 = tpu.vector_load %arg12[%swap3A_826, %swap3A_827] {strides = array<i32>} : memref<16x768xf32, #tpu.memory_space<vmem>>, vector<16xf32>,
        tpu.vector_store %arg12[%swap3A_826, %swap3A_827], %add3A_825 {strides = array<i32>} : memref<16x768xf32, #tpu.memory_space<vmem>>, vector<16xf32>,
        %get3A_829 = arith.index_cast %add3A_28 : i32 to index
        %get3A_830 = arith.constant 144 : index
        %get3A_831 = tpu.vector_load %arg12[%get3A_829, %get3A_830] {strides = array<i32>} : memref<16x768xf32, #tpu.memory_space<vmem>>, vector<16xf32>,
        %sub3A_832 = arith.subf %get3A_831, %broadcast_in_dim3A_702 : vector<16xf32>
        %mul3A_833 = arith.mulf %sub3A_832, %mul3A_701 : vector<16xf32>
        %get3A_834 = arith.constant 144 : index
        %get3A_835 = tpu.vector_load %arg9[%get3A_834] {strides = array<i32>} : memref<768xf32, #tpu.memory_space<vmem>>, vector<16xf32>,
        %mul3A_836 = arith.mulf %mul3A_833, %get3A_835 : vector<16xf32>
        %get3A_837 = arith.constant 144 : index
        %get3A_838 = tpu.vector_load %arg10[%get3A_837] {strides = array<i32>} : memref<768xf32, #tpu.memory_space<vmem>>, vector<16xf32>,
        %add3A_839 = arith.addf %mul3A_836, %get3A_838 : vector<16xf32>
        %swap3A_840 = arith.index_cast %add3A_28 : i32 to index
        %swap3A_841 = arith.constant 144 : index
        %swap3A_842 = tpu.vector_load %arg12[%swap3A_840, %swap3A_841] {strides = array<i32>} : memref<16x768xf32, #tpu.memory_space<vmem>>, vector<16xf32>,
        tpu.vector_store %arg12[%swap3A_840, %swap3A_841], %add3A_839 {strides = array<i32>} : memref<16x768xf32, #tpu.memory_space<vmem>>, vector<16xf32>,
        %get3A_843 = arith.index_cast %add3A_28 : i32 to index
        %get3A_844 = arith.constant 160 : index
        %get3A_845 = tpu.vector_load %arg12[%get3A_843, %get3A_844] {strides = array<i32>} : memref<16x768xf32, #tpu.memory_space<vmem>>, vector<16xf32>,
        %sub3A_846 = arith.subf %get3A_845, %broadcast_in_dim3A_702 : vector<16xf32>
        %mul3A_847 = arith.mulf %sub3A_846, %mul3A_701 : vector<16xf32>
        %get3A_848 = arith.constant 160 : index
        %get3A_849 = tpu.vector_load %arg9[%get3A_848] {strides = array<i32>} : memref<768xf32, #tpu.memory_space<vmem>>, vector<16xf32>,
        %mul3A_850 = arith.mulf %mul3A_847, %get3A_849 : vector<16xf32>
        %get3A_851 = arith.constant 160 : index
        %get3A_852 = tpu.vector_load %arg10[%get3A_851] {strides = array<i32>} : memref<768xf32, #tpu.memory_space<vmem>>, vector<16xf32>,
        %add3A_853 = arith.addf %mul3A_850, %get3A_852 : vector<16xf32>
        %swap3A_854 = arith.index_cast %add3A_28 : i32 to index
        %swap3A_855 = arith.constant 160 : index
        %swap3A_856 = tpu.vector_load %arg12[%swap3A_854, %swap3A_855] {strides = array<i32>} : memref<16x768xf32, #tpu.memory_space<vmem>>, vector<16xf32>,
        tpu.vector_store %arg12[%swap3A_854, %swap3A_855], %add3A_853 {strides = array<i32>} : memref<16x768xf32, #tpu.memory_space<vmem>>, vector<16xf32>,
        %get3A_857 = arith.index_cast %add3A_28 : i32 to index
        %get3A_858 = arith.constant 176 : index
        %get3A_859 = tpu.vector_load %arg12[%get3A_857, %get3A_858] {strides = array<i32>} : memref<16x768xf32, #tpu.memory_space<vmem>>, vector<16xf32>,
        %sub3A_860 = arith.subf %get3A_859, %broadcast_in_dim3A_702 : vector<16xf32>
        %mul3A_861 = arith.mulf %sub3A_860, %mul3A_701 : vector<16xf32>
        %get3A_862 = arith.constant 176 : index
        %get3A_863 = tpu.vector_load %arg9[%get3A_862] {strides = array<i32>} : memref<768xf32, #tpu.memory_space<vmem>>, vector<16xf32>,
        %mul3A_864 = arith.mulf %mul3A_861, %get3A_863 : vector<16xf32>
        %get3A_865 = arith.constant 176 : index
        %get3A_866 = tpu.vector_load %arg10[%get3A_865] {strides = array<i32>} : memref<768xf32, #tpu.memory_space<vmem>>, vector<16xf32>,
        %add3A_867 = arith.addf %mul3A_864, %get3A_866 : vector<16xf32>
        %swap3A_868 = arith.index_cast %add3A_28 : i32 to index
        %swap3A_869 = arith.constant 176 : index
        %swap3A_870 = tpu.vector_load %arg12[%swap3A_868, %swap3A_869] {strides = array<i32>} : memref<16x768xf32, #tpu.memory_space<vmem>>, vector<16xf32>,
        tpu.vector_store %arg12[%swap3A_868, %swap3A_869], %add3A_867 {strides = array<i32>} : memref<16x768xf32, #tpu.memory_space<vmem>>, vector<16xf32>,
        %get3A_871 = arith.index_cast %add3A_28 : i32 to index
        %get3A_872 = arith.constant 192 : index
        %get3A_873 = tpu.vector_load %arg12[%get3A_871, %get3A_872] {strides = array<i32>} : memref<16x768xf32, #tpu.memory_space<vmem>>, vector<16xf32>,
        %sub3A_874 = arith.subf %get3A_873, %broadcast_in_dim3A_702 : vector<16xf32>
        %mul3A_875 = arith.mulf %sub3A_874, %mul3A_701 : vector<16xf32>
        %get3A_876 = arith.constant 192 : index
        %get3A_877 = tpu.vector_load %arg9[%get3A_876] {strides = array<i32>} : memref<768xf32, #tpu.memory_space<vmem>>, vector<16xf32>,
        %mul3A_878 = arith.mulf %mul3A_875, %get3A_877 : vector<16xf32>
        %get3A_879 = arith.constant 192 : index
        %get3A_880 = tpu.vector_load %arg10[%get3A_879] {strides = array<i32>} : memref<768xf32, #tpu.memory_space<vmem>>, vector<16xf32>,
        %add3A_881 = arith.addf %mul3A_878, %get3A_880 : vector<16xf32>
        %swap3A_882 = arith.index_cast %add3A_28 : i32 to index
        %swap3A_883 = arith.constant 192 : index
        %swap3A_884 = tpu.vector_load %arg12[%swap3A_882, %swap3A_883] {strides = array<i32>} : memref<16x768xf32, #tpu.memory_space<vmem>>, vector<16xf32>,
        tpu.vector_store %arg12[%swap3A_882, %swap3A_883], %add3A_881 {strides = array<i32>} : memref<16x768xf32, #tpu.memory_space<vmem>>, vector<16xf32>,
        %get3A_885 = arith.index_cast %add3A_28 : i32 to index
        %get3A_886 = arith.constant 208 : index
        %get3A_887 = tpu.vector_load %arg12[%get3A_885, %get3A_886] {strides = array<i32>} : memref<16x768xf32, #tpu.memory_space<vmem>>, vector<16xf32>,
        %sub3A_888 = arith.subf %get3A_887, %broadcast_in_dim3A_702 : vector<16xf32>
        %mul3A_889 = arith.mulf %sub3A_888, %mul3A_701 : vector<16xf32>
        %get3A_890 = arith.constant 208 : index
        %get3A_891 = tpu.vector_load %arg9[%get3A_890] {strides = array<i32>} : memref<768xf32, #tpu.memory_space<vmem>>, vector<16xf32>,
        %mul3A_892 = arith.mulf %mul3A_889, %get3A_891 : vector<16xf32>
        %get3A_893 = arith.constant 208 : index
        %get3A_894 = tpu.vector_load %arg10[%get3A_893] {strides = array<i32>} : memref<768xf32, #tpu.memory_space<vmem>>, vector<16xf32>,
        %add3A_895 = arith.addf %mul3A_892, %get3A_894 : vector<16xf32>
        %swap3A_896 = arith.index_cast %add3A_28 : i32 to index
        %swap3A_897 = arith.constant 208 : index
        %swap3A_898 = tpu.vector_load %arg12[%swap3A_896, %swap3A_897] {strides = array<i32>} : memref<16x768xf32, #tpu.memory_space<vmem>>, vector<16xf32>,
        tpu.vector_store %arg12[%swap3A_896, %swap3A_897], %add3A_895 {strides = array<i32>} : memref<16x768xf32, #tpu.memory_space<vmem>>, vector<16xf32>,
        %get3A_899 = arith.index_cast %add3A_28 : i32 to index
        %get3A_900 = arith.constant 224 : index
        %get3A_901 = tpu.vector_load %arg12[%get3A_899, %get3A_900] {strides = array<i32>} : memref<16x768xf32, #tpu.memory_space<vmem>>, vector<16xf32>,
        %sub3A_902 = arith.subf %get3A_901, %broadcast_in_dim3A_702 : vector<16xf32>
        %mul3A_903 = arith.mulf %sub3A_902, %mul3A_701 : vector<16xf32>
        %get3A_904 = arith.constant 224 : index
        %get3A_905 = tpu.vector_load %arg9[%get3A_904] {strides = array<i32>} : memref<768xf32, #tpu.memory_space<vmem>>, vector<16xf32>,
        %mul3A_906 = arith.mulf %mul3A_903, %get3A_905 : vector<16xf32>
        %get3A_907 = arith.constant 224 : index
        %get3A_908 = tpu.vector_load %arg10[%get3A_907] {strides = array<i32>} : memref<768xf32, #tpu.memory_space<vmem>>, vector<16xf32>,
        %add3A_909 = arith.addf %mul3A_906, %get3A_908 : vector<16xf32>
        %swap3A_910 = arith.index_cast %add3A_28 : i32 to index
        %swap3A_911 = arith.constant 224 : index
        %swap3A_912 = tpu.vector_load %arg12[%swap3A_910, %swap3A_911] {strides = array<i32>} : memref<16x768xf32, #tpu.memory_space<vmem>>, vector<16xf32>,
        tpu.vector_store %arg12[%swap3A_910, %swap3A_911], %add3A_909 {strides = array<i32>} : memref<16x768xf32, #tpu.memory_space<vmem>>, vector<16xf32>,
        %get3A_913 = arith.index_cast %add3A_28 : i32 to index
        %get3A_914 = arith.constant 240 : index
        %get3A_915 = tpu.vector_load %arg12[%get3A_913, %get3A_914] {strides = array<i32>} : memref<16x768xf32, #tpu.memory_space<vmem>>, vector<16xf32>,
        %sub3A_916 = arith.subf %get3A_915, %broadcast_in_dim3A_702 : vector<16xf32>
        %mul3A_917 = arith.mulf %sub3A_916, %mul3A_701 : vector<16xf32>
        %get3A_918 = arith.constant 240 : index
        %get3A_919 = tpu.vector_load %arg9[%get3A_918] {strides = array<i32>} : memref<768xf32, #tpu.memory_space<vmem>>, vector<16xf32>,
        %mul3A_920 = arith.mulf %mul3A_917, %get3A_919 : vector<16xf32>
        %get3A_921 = arith.constant 240 : index
        %get3A_922 = tpu.vector_load %arg10[%get3A_921] {strides = array<i32>} : memref<768xf32, #tpu.memory_space<vmem>>, vector<16xf32>,
        %add3A_923 = arith.addf %mul3A_920, %get3A_922 : vector<16xf32>
        %swap3A_924 = arith.index_cast %add3A_28 : i32 to index
        %swap3A_925 = arith.constant 240 : index
        %swap3A_926 = tpu.vector_load %arg12[%swap3A_924, %swap3A_925] {strides = array<i32>} : memref<16x768xf32, #tpu.memory_space<vmem>>, vector<16xf32>,
        tpu.vector_store %arg12[%swap3A_924, %swap3A_925], %add3A_923 {strides = array<i32>} : memref<16x768xf32, #tpu.memory_space<vmem>>, vector<16xf32>,
        %get3A_927 = arith.index_cast %add3A_28 : i32 to index
        %get3A_928 = arith.constant 256 : index
        %get3A_929 = tpu.vector_load %arg12[%get3A_927, %get3A_928] {strides = array<i32>} : memref<16x768xf32, #tpu.memory_space<vmem>>, vector<16xf32>,
        %sub3A_930 = arith.subf %get3A_929, %broadcast_in_dim3A_702 : vector<16xf32>
        %mul3A_931 = arith.mulf %sub3A_930, %mul3A_701 : vector<16xf32>
        %get3A_932 = arith.constant 256 : index
        %get3A_933 = tpu.vector_load %arg9[%get3A_932] {strides = array<i32>} : memref<768xf32, #tpu.memory_space<vmem>>, vector<16xf32>,
        %mul3A_934 = arith.mulf %mul3A_931, %get3A_933 : vector<16xf32>
        %get3A_935 = arith.constant 256 : index
        %get3A_936 = tpu.vector_load %arg10[%get3A_935] {strides = array<i32>} : memref<768xf32, #tpu.memory_space<vmem>>, vector<16xf32>,
        %add3A_937 = arith.addf %mul3A_934, %get3A_936 : vector<16xf32>
        %swap3A_938 = arith.index_cast %add3A_28 : i32 to index
        %swap3A_939 = arith.constant 256 : index
        %swap3A_940 = tpu.vector_load %arg12[%swap3A_938, %swap3A_939] {strides = array<i32>} : memref<16x768xf32, #tpu.memory_space<vmem>>, vector<16xf32>,
        tpu.vector_store %arg12[%swap3A_938, %swap3A_939], %add3A_937 {strides = array<i32>} : memref<16x768xf32, #tpu.memory_space<vmem>>, vector<16xf32>,
        %get3A_941 = arith.index_cast %add3A_28 : i32 to index
        %get3A_942 = arith.constant 272 : index
        %get3A_943 = tpu.vector_load %arg12[%get3A_941, %get3A_942] {strides = array<i32>} : memref<16x768xf32, #tpu.memory_space<vmem>>, vector<16xf32>,
        %sub3A_944 = arith.subf %get3A_943, %broadcast_in_dim3A_702 : vector<16xf32>
        %mul3A_945 = arith.mulf %sub3A_944, %mul3A_701 : vector<16xf32>
        %get3A_946 = arith.constant 272 : index
        %get3A_947 = tpu.vector_load %arg9[%get3A_946] {strides = array<i32>} : memref<768xf32, #tpu.memory_space<vmem>>, vector<16xf32>,
        %mul3A_948 = arith.mulf %mul3A_945, %get3A_947 : vector<16xf32>
        %get3A_949 = arith.constant 272 : index
        %get3A_950 = tpu.vector_load %arg10[%get3A_949] {strides = array<i32>} : memref<768xf32, #tpu.memory_space<vmem>>, vector<16xf32>,
        %add3A_951 = arith.addf %mul3A_948, %get3A_950 : vector<16xf32>
        %swap3A_952 = arith.index_cast %add3A_28 : i32 to index
        %swap3A_953 = arith.constant 272 : index
        %swap3A_954 = tpu.vector_load %arg12[%swap3A_952, %swap3A_953] {strides = array<i32>} : memref<16x768xf32, #tpu.memory_space<vmem>>, vector<16xf32>,
        tpu.vector_store %arg12[%swap3A_952, %swap3A_953], %add3A_951 {strides = array<i32>} : memref<16x768xf32, #tpu.memory_space<vmem>>, vector<16xf32>,
        %get3A_955 = arith.index_cast %add3A_28 : i32 to index
        %get3A_956 = arith.constant 288 : index
        %get3A_957 = tpu.vector_load %arg12[%get3A_955, %get3A_956] {strides = array<i32>} : memref<16x768xf32, #tpu.memory_space<vmem>>, vector<16xf32>,
        %sub3A_958 = arith.subf %get3A_957, %broadcast_in_dim3A_702 : vector<16xf32>
        %mul3A_959 = arith.mulf %sub3A_958, %mul3A_701 : vector<16xf32>
        %get3A_960 = arith.constant 288 : index
        %get3A_961 = tpu.vector_load %arg9[%get3A_960] {strides = array<i32>} : memref<768xf32, #tpu.memory_space<vmem>>, vector<16xf32>,
        %mul3A_962 = arith.mulf %mul3A_959, %get3A_961 : vector<16xf32>
        %get3A_963 = arith.constant 288 : index
        %get3A_964 = tpu.vector_load %arg10[%get3A_963] {strides = array<i32>} : memref<768xf32, #tpu.memory_space<vmem>>, vector<16xf32>,
        %add3A_965 = arith.addf %mul3A_962, %get3A_964 : vector<16xf32>
        %swap3A_966 = arith.index_cast %add3A_28 : i32 to index
        %swap3A_967 = arith.constant 288 : index
        %swap3A_968 = tpu.vector_load %arg12[%swap3A_966, %swap3A_967] {strides = array<i32>} : memref<16x768xf32, #tpu.memory_space<vmem>>, vector<16xf32>,
        tpu.vector_store %arg12[%swap3A_966, %swap3A_967], %add3A_965 {strides = array<i32>} : memref<16x768xf32, #tpu.memory_space<vmem>>, vector<16xf32>,
        %get3A_969 = arith.index_cast %add3A_28 : i32 to index
        %get3A_970 = arith.constant 304 : index
        %get3A_971 = tpu.vector_load %arg12[%get3A_969, %get3A_970] {strides = array<i32>} : memref<16x768xf32, #tpu.memory_space<vmem>>, vector<16xf32>,
        %sub3A_972 = arith.subf %get3A_971, %broadcast_in_dim3A_702 : vector<16xf32>
        %mul3A_973 = arith.mulf %sub3A_972, %mul3A_701 : vector<16xf32>
        %get3A_974 = arith.constant 304 : index
        %get3A_975 = tpu.vector_load %arg9[%get3A_974] {strides = array<i32>} : memref<768xf32, #tpu.memory_space<vmem>>, vector<16xf32>,
        %mul3A_976 = arith.mulf %mul3A_973, %get3A_975 : vector<16xf32>
        %get3A_977 = arith.constant 304 : index
        %get3A_978 = tpu.vector_load %arg10[%get3A_977] {strides = array<i32>} : memref<768xf32, #tpu.memory_space<vmem>>, vector<16xf32>,
        %add3A_979 = arith.addf %mul3A_976, %get3A_978 : vector<16xf32>
        %swap3A_980 = arith.index_cast %add3A_28 : i32 to index
        %swap3A_981 = arith.constant 304 : index
        %swap3A_982 = tpu.vector_load %arg12[%swap3A_980, %swap3A_981] {strides = array<i32>} : memref<16x768xf32, #tpu.memory_space<vmem>>, vector<16xf32>,
        tpu.vector_store %arg12[%swap3A_980, %swap3A_981], %add3A_979 {strides = array<i32>} : memref<16x768xf32, #tpu.memory_space<vmem>>, vector<16xf32>,
        %get3A_983 = arith.index_cast %add3A_28 : i32 to index
        %get3A_984 = arith.constant 320 : index
        %get3A_985 = tpu.vector_load %arg12[%get3A_983, %get3A_984] {strides = array<i32>} : memref<16x768xf32, #tpu.memory_space<vmem>>, vector<16xf32>,
        %sub3A_986 = arith.subf %get3A_985, %broadcast_in_dim3A_702 : vector<16xf32>
        %mul3A_987 = arith.mulf %sub3A_986, %mul3A_701 : vector<16xf32>
        %get3A_988 = arith.constant 320 : index
        %get3A_989 = tpu.vector_load %arg9[%get3A_988] {strides = array<i32>} : memref<768xf32, #tpu.memory_space<vmem>>, vector<16xf32>,
        %mul3A_990 = arith.mulf %mul3A_987, %get3A_989 : vector<16xf32>
        %get3A_991 = arith.constant 320 : index
        %get3A_992 = tpu.vector_load %arg10[%get3A_991] {strides = array<i32>} : memref<768xf32, #tpu.memory_space<vmem>>, vector<16xf32>,
        %add3A_993 = arith.addf %mul3A_990, %get3A_992 : vector<16xf32>
        %swap3A_994 = arith.index_cast %add3A_28 : i32 to index
        %swap3A_995 = arith.constant 320 : index
        %swap3A_996 = tpu.vector_load %arg12[%swap3A_994, %swap3A_995] {strides = array<i32>} : memref<16x768xf32, #tpu.memory_space<vmem>>, vector<16xf32>,
        tpu.vector_store %arg12[%swap3A_994, %swap3A_995], %add3A_993 {strides = array<i32>} : memref<16x768xf32, #tpu.memory_space<vmem>>, vector<16xf32>,
        %get3A_997 = arith.index_cast %add3A_28 : i32 to index
        %get3A_998 = arith.constant 336 : index
        %get3A_999 = tpu.vector_load %arg12[%get3A_997, %get3A_998] {strides = array<i32>} : memref<16x768xf32, #tpu.memory_space<vmem>>, vector<16xf32>,
        %sub3A_1000 = arith.subf %get3A_999, %broadcast_in_dim3A_702 : vector<16xf32>
        %mul3A_1001 = arith.mulf %sub3A_1000, %mul3A_701 : vector<16xf32>
        %get3A_1002 = arith.constant 336 : index
        %get3A_1003 = tpu.vector_load %arg9[%get3A_1002] {strides = array<i32>} : memref<768xf32, #tpu.memory_space<vmem>>, vector<16xf32>,
        %mul3A_1004 = arith.mulf %mul3A_1001, %get3A_1003 : vector<16xf32>
        %get3A_1005 = arith.constant 336 : index
        %get3A_1006 = tpu.vector_load %arg10[%get3A_1005] {strides = array<i32>} : memref<768xf32, #tpu.memory_space<vmem>>, vector<16xf32>,
        %add3A_1007 = arith.addf %mul3A_1004, %get3A_1006 : vector<16xf32>
        %swap3A_1008 = arith.index_cast %add3A_28 : i32 to index
        %swap3A_1009 = arith.constant 336 : index
        %swap3A_1010 = tpu.vector_load %arg12[%swap3A_1008, %swap3A_1009] {strides = array<i32>} : memref<16x768xf32, #tpu.memory_space<vmem>>, vector<16xf32>,
        tpu.vector_store %arg12[%swap3A_1008, %swap3A_1009], %add3A_1007 {strides = array<i32>} : memref<16x768xf32, #tpu.memory_space<vmem>>, vector<16xf32>,
        %get3A_1011 = arith.index_cast %add3A_28 : i32 to index
        %get3A_1012 = arith.constant 352 : index
        %get3A_1013 = tpu.vector_load %arg12[%get3A_1011, %get3A_1012] {strides = array<i32>} : memref<16x768xf32, #tpu.memory_space<vmem>>, vector<16xf32>,
        %sub3A_1014 = arith.subf %get3A_1013, %broadcast_in_dim3A_702 : vector<16xf32>
        %mul3A_1015 = arith.mulf %sub3A_1014, %mul3A_701 : vector<16xf32>
        %get3A_1016 = arith.constant 352 : index
        %get3A_1017 = tpu.vector_load %arg9[%get3A_1016] {strides = array<i32>} : memref<768xf32, #tpu.memory_space<vmem>>, vector<16xf32>,
        %mul3A_1018 = arith.mulf %mul3A_1015, %get3A_1017 : vector<16xf32>
        %get3A_1019 = arith.constant 352 : index
        %get3A_1020 = tpu.vector_load %arg10[%get3A_1019] {strides = array<i32>} : memref<768xf32, #tpu.memory_space<vmem>>, vector<16xf32>,
        %add3A_1021 = arith.addf %mul3A_1018, %get3A_1020 : vector<16xf32>
        %swap3A_1022 = arith.index_cast %add3A_28 : i32 to index
        %swap3A_1023 = arith.constant 352 : index
        %swap3A_1024 = tpu.vector_load %arg12[%swap3A_1022, %swap3A_1023] {strides = array<i32>} : memref<16x768xf32, #tpu.memory_space<vmem>>, vector<16xf32>,
        tpu.vector_store %arg12[%swap3A_1022, %swap3A_1023], %add3A_1021 {strides = array<i32>} : memref<16x768xf32, #tpu.memory_space<vmem>>, vector<16xf32>,
        %get3A_1025 = arith.index_cast %add3A_28 : i32 to index
        %get3A_1026 = arith.constant 368 : index
        %get3A_1027 = tpu.vector_load %arg12[%get3A_1025, %get3A_1026] {strides = array<i32>} : memref<16x768xf32, #tpu.memory_space<vmem>>, vector<16xf32>,
        %sub3A_1028 = arith.subf %get3A_1027, %broadcast_in_dim3A_702 : vector<16xf32>
        %mul3A_1029 = arith.mulf %sub3A_1028, %mul3A_701 : vector<16xf32>
        %get3A_1030 = arith.constant 368 : index
        %get3A_1031 = tpu.vector_load %arg9[%get3A_1030] {strides = array<i32>} : memref<768xf32, #tpu.memory_space<vmem>>, vector<16xf32>,
        %mul3A_1032 = arith.mulf %mul3A_1029, %get3A_1031 : vector<16xf32>
        %get3A_1033 = arith.constant 368 : index
        %get3A_1034 = tpu.vector_load %arg10[%get3A_1033] {strides = array<i32>} : memref<768xf32, #tpu.memory_space<vmem>>, vector<16xf32>,
        %add3A_1035 = arith.addf %mul3A_1032, %get3A_1034 : vector<16xf32>
        %swap3A_1036 = arith.index_cast %add3A_28 : i32 to index
        %swap3A_1037 = arith.constant 368 : index
        %swap3A_1038 = tpu.vector_load %arg12[%swap3A_1036, %swap3A_1037] {strides = array<i32>} : memref<16x768xf32, #tpu.memory_space<vmem>>, vector<16xf32>,
        tpu.vector_store %arg12[%swap3A_1036, %swap3A_1037], %add3A_1035 {strides = array<i32>} : memref<16x768xf32, #tpu.memory_space<vmem>>, vector<16xf32>,
        %get3A_1039 = arith.index_cast %add3A_28 : i32 to index
        %get3A_1040 = arith.constant 384 : index
        %get3A_1041 = tpu.vector_load %arg12[%get3A_1039, %get3A_1040] {strides = array<i32>} : memref<16x768xf32, #tpu.memory_space<vmem>>, vector<16xf32>,
        %sub3A_1042 = arith.subf %get3A_1041, %broadcast_in_dim3A_702 : vector<16xf32>
        %mul3A_1043 = arith.mulf %sub3A_1042, %mul3A_701 : vector<16xf32>
        %get3A_1044 = arith.constant 384 : index
        %get3A_1045 = tpu.vector_load %arg9[%get3A_1044] {strides = array<i32>} : memref<768xf32, #tpu.memory_space<vmem>>, vector<16xf32>,
        %mul3A_1046 = arith.mulf %mul3A_1043, %get3A_1045 : vector<16xf32>
        %get3A_1047 = arith.constant 384 : index
        %get3A_1048 = tpu.vector_load %arg10[%get3A_1047] {strides = array<i32>} : memref<768xf32, #tpu.memory_space<vmem>>, vector<16xf32>,
        %add3A_1049 = arith.addf %mul3A_1046, %get3A_1048 : vector<16xf32>
        %swap3A_1050 = arith.index_cast %add3A_28 : i32 to index
        %swap3A_1051 = arith.constant 384 : index
        %swap3A_1052 = tpu.vector_load %arg12[%swap3A_1050, %swap3A_1051] {strides = array<i32>} : memref<16x768xf32, #tpu.memory_space<vmem>>, vector<16xf32>,
        tpu.vector_store %arg12[%swap3A_1050, %swap3A_1051], %add3A_1049 {strides = array<i32>} : memref<16x768xf32, #tpu.memory_space<vmem>>, vector<16xf32>,
        %get3A_1053 = arith.index_cast %add3A_28 : i32 to index
        %get3A_1054 = arith.constant 400 : index
        %get3A_1055 = tpu.vector_load %arg12[%get3A_1053, %get3A_1054] {strides = array<i32>} : memref<16x768xf32, #tpu.memory_space<vmem>>, vector<16xf32>,
        %sub3A_1056 = arith.subf %get3A_1055, %broadcast_in_dim3A_702 : vector<16xf32>
        %mul3A_1057 = arith.mulf %sub3A_1056, %mul3A_701 : vector<16xf32>
        %get3A_1058 = arith.constant 400 : index
        %get3A_1059 = tpu.vector_load %arg9[%get3A_1058] {strides = array<i32>} : memref<768xf32, #tpu.memory_space<vmem>>, vector<16xf32>,
        %mul3A_1060 = arith.mulf %mul3A_1057, %get3A_1059 : vector<16xf32>
        %get3A_1061 = arith.constant 400 : index
        %get3A_1062 = tpu.vector_load %arg10[%get3A_1061] {strides = array<i32>} : memref<768xf32, #tpu.memory_space<vmem>>, vector<16xf32>,
        %add3A_1063 = arith.addf %mul3A_1060, %get3A_1062 : vector<16xf32>
        %swap3A_1064 = arith.index_cast %add3A_28 : i32 to index
        %swap3A_1065 = arith.constant 400 : index
        %swap3A_1066 = tpu.vector_load %arg12[%swap3A_1064, %swap3A_1065] {strides = array<i32>} : memref<16x768xf32, #tpu.memory_space<vmem>>, vector<16xf32>,
        tpu.vector_store %arg12[%swap3A_1064, %swap3A_1065], %add3A_1063 {strides = array<i32>} : memref<16x768xf32, #tpu.memory_space<vmem>>, vector<16xf32>,
        %get3A_1067 = arith.index_cast %add3A_28 : i32 to index
        %get3A_1068 = arith.constant 416 : index
        %get3A_1069 = tpu.vector_load %arg12[%get3A_1067, %get3A_1068] {strides = array<i32>} : memref<16x768xf32, #tpu.memory_space<vmem>>, vector<16xf32>,
        %sub3A_1070 = arith.subf %get3A_1069, %broadcast_in_dim3A_702 : vector<16xf32>
        %mul3A_1071 = arith.mulf %sub3A_1070, %mul3A_701 : vector<16xf32>
        %get3A_1072 = arith.constant 416 : index
        %get3A_1073 = tpu.vector_load %arg9[%get3A_1072] {strides = array<i32>} : memref<768xf32, #tpu.memory_space<vmem>>, vector<16xf32>,
        %mul3A_1074 = arith.mulf %mul3A_1071, %get3A_1073 : vector<16xf32>
        %get3A_1075 = arith.constant 416 : index
        %get3A_1076 = tpu.vector_load %arg10[%get3A_1075] {strides = array<i32>} : memref<768xf32, #tpu.memory_space<vmem>>, vector<16xf32>,
        %add3A_1077 = arith.addf %mul3A_1074, %get3A_1076 : vector<16xf32>
        %swap3A_1078 = arith.index_cast %add3A_28 : i32 to index
        %swap3A_1079 = arith.constant 416 : index
        %swap3A_1080 = tpu.vector_load %arg12[%swap3A_1078, %swap3A_1079] {strides = array<i32>} : memref<16x768xf32, #tpu.memory_space<vmem>>, vector<16xf32>,
        tpu.vector_store %arg12[%swap3A_1078, %swap3A_1079], %add3A_1077 {strides = array<i32>} : memref<16x768xf32, #tpu.memory_space<vmem>>, vector<16xf32>,
        %get3A_1081 = arith.index_cast %add3A_28 : i32 to index
        %get3A_1082 = arith.constant 432 : index
        %get3A_1083 = tpu.vector_load %arg12[%get3A_1081, %get3A_1082] {strides = array<i32>} : memref<16x768xf32, #tpu.memory_space<vmem>>, vector<16xf32>,
        %sub3A_1084 = arith.subf %get3A_1083, %broadcast_in_dim3A_702 : vector<16xf32>
        %mul3A_1085 = arith.mulf %sub3A_1084, %mul3A_701 : vector<16xf32>
        %get3A_1086 = arith.constant 432 : index
        %get3A_1087 = tpu.vector_load %arg9[%get3A_1086] {strides = array<i32>} : memref<768xf32, #tpu.memory_space<vmem>>, vector<16xf32>,
        %mul3A_1088 = arith.mulf %mul3A_1085, %get3A_1087 : vector<16xf32>
        %get3A_1089 = arith.constant 432 : index
        %get3A_1090 = tpu.vector_load %arg10[%get3A_1089] {strides = array<i32>} : memref<768xf32, #tpu.memory_space<vmem>>, vector<16xf32>,
        %add3A_1091 = arith.addf %mul3A_1088, %get3A_1090 : vector<16xf32>
        %swap3A_1092 = arith.index_cast %add3A_28 : i32 to index
        %swap3A_1093 = arith.constant 432 : index
        %swap3A_1094 = tpu.vector_load %arg12[%swap3A_1092, %swap3A_1093] {strides = array<i32>} : memref<16x768xf32, #tpu.memory_space<vmem>>, vector<16xf32>,
        tpu.vector_store %arg12[%swap3A_1092, %swap3A_1093], %add3A_1091 {strides = array<i32>} : memref<16x768xf32, #tpu.memory_space<vmem>>, vector<16xf32>,
        %get3A_1095 = arith.index_cast %add3A_28 : i32 to index
        %get3A_1096 = arith.constant 448 : index
        %get3A_1097 = tpu.vector_load %arg12[%get3A_1095, %get3A_1096] {strides = array<i32>} : memref<16x768xf32, #tpu.memory_space<vmem>>, vector<16xf32>,
        %sub3A_1098 = arith.subf %get3A_1097, %broadcast_in_dim3A_702 : vector<16xf32>
        %mul3A_1099 = arith.mulf %sub3A_1098, %mul3A_701 : vector<16xf32>
        %get3A_1100 = arith.constant 448 : index
        %get3A_1101 = tpu.vector_load %arg9[%get3A_1100] {strides = array<i32>} : memref<768xf32, #tpu.memory_space<vmem>>, vector<16xf32>,
        %mul3A_1102 = arith.mulf %mul3A_1099, %get3A_1101 : vector<16xf32>
        %get3A_1103 = arith.constant 448 : index
        %get3A_1104 = tpu.vector_load %arg10[%get3A_1103] {strides = array<i32>} : memref<768xf32, #tpu.memory_space<vmem>>, vector<16xf32>,
        %add3A_1105 = arith.addf %mul3A_1102, %get3A_1104 : vector<16xf32>
        %swap3A_1106 = arith.index_cast %add3A_28 : i32 to index
        %swap3A_1107 = arith.constant 448 : index
        %swap3A_1108 = tpu.vector_load %arg12[%swap3A_1106, %swap3A_1107] {strides = array<i32>} : memref<16x768xf32, #tpu.memory_space<vmem>>, vector<16xf32>,
        tpu.vector_store %arg12[%swap3A_1106, %swap3A_1107], %add3A_1105 {strides = array<i32>} : memref<16x768xf32, #tpu.memory_space<vmem>>, vector<16xf32>,
        %get3A_1109 = arith.index_cast %add3A_28 : i32 to index
        %get3A_1110 = arith.constant 464 : index
        %get3A_1111 = tpu.vector_load %arg12[%get3A_1109, %get3A_1110] {strides = array<i32>} : memref<16x768xf32, #tpu.memory_space<vmem>>, vector<16xf32>,
        %sub3A_1112 = arith.subf %get3A_1111, %broadcast_in_dim3A_702 : vector<16xf32>
        %mul3A_1113 = arith.mulf %sub3A_1112, %mul3A_701 : vector<16xf32>
        %get3A_1114 = arith.constant 464 : index
        %get3A_1115 = tpu.vector_load %arg9[%get3A_1114] {strides = array<i32>} : memref<768xf32, #tpu.memory_space<vmem>>, vector<16xf32>,
        %mul3A_1116 = arith.mulf %mul3A_1113, %get3A_1115 : vector<16xf32>
        %get3A_1117 = arith.constant 464 : index
        %get3A_1118 = tpu.vector_load %arg10[%get3A_1117] {strides = array<i32>} : memref<768xf32, #tpu.memory_space<vmem>>, vector<16xf32>,
        %add3A_1119 = arith.addf %mul3A_1116, %get3A_1118 : vector<16xf32>
        %swap3A_1120 = arith.index_cast %add3A_28 : i32 to index
        %swap3A_1121 = arith.constant 464 : index
        %swap3A_1122 = tpu.vector_load %arg12[%swap3A_1120, %swap3A_1121] {strides = array<i32>} : memref<16x768xf32, #tpu.memory_space<vmem>>, vector<16xf32>,
        tpu.vector_store %arg12[%swap3A_1120, %swap3A_1121], %add3A_1119 {strides = array<i32>} : memref<16x768xf32, #tpu.memory_space<vmem>>, vector<16xf32>,
        %get3A_1123 = arith.index_cast %add3A_28 : i32 to index
        %get3A_1124 = arith.constant 480 : index
        %get3A_1125 = tpu.vector_load %arg12[%get3A_1123, %get3A_1124] {strides = array<i32>} : memref<16x768xf32, #tpu.memory_space<vmem>>, vector<16xf32>,
        %sub3A_1126 = arith.subf %get3A_1125, %broadcast_in_dim3A_702 : vector<16xf32>
        %mul3A_1127 = arith.mulf %sub3A_1126, %mul3A_701 : vector<16xf32>
        %get3A_1128 = arith.constant 480 : index
        %get3A_1129 = tpu.vector_load %arg9[%get3A_1128] {strides = array<i32>} : memref<768xf32, #tpu.memory_space<vmem>>, vector<16xf32>,
        %mul3A_1130 = arith.mulf %mul3A_1127, %get3A_1129 : vector<16xf32>
        %get3A_1131 = arith.constant 480 : index
        %get3A_1132 = tpu.vector_load %arg10[%get3A_1131] {strides = array<i32>} : memref<768xf32, #tpu.memory_space<vmem>>, vector<16xf32>,
        %add3A_1133 = arith.addf %mul3A_1130, %get3A_1132 : vector<16xf32>
        %swap3A_1134 = arith.index_cast %add3A_28 : i32 to index
        %swap3A_1135 = arith.constant 480 : index
        %swap3A_1136 = tpu.vector_load %arg12[%swap3A_1134, %swap3A_1135] {strides = array<i32>} : memref<16x768xf32, #tpu.memory_space<vmem>>, vector<16xf32>,
        tpu.vector_store %arg12[%swap3A_1134, %swap3A_1135], %add3A_1133 {strides = array<i32>} : memref<16x768xf32, #tpu.memory_space<vmem>>, vector<16xf32>,
        %get3A_1137 = arith.index_cast %add3A_28 : i32 to index
        %get3A_1138 = arith.constant 496 : index
        %get3A_1139 = tpu.vector_load %arg12[%get3A_1137, %get3A_1138] {strides = array<i32>} : memref<16x768xf32, #tpu.memory_space<vmem>>, vector<16xf32>,
        %sub3A_1140 = arith.subf %get3A_1139, %broadcast_in_dim3A_702 : vector<16xf32>
        %mul3A_1141 = arith.mulf %sub3A_1140, %mul3A_701 : vector<16xf32>
        %get3A_1142 = arith.constant 496 : index
        %get3A_1143 = tpu.vector_load %arg9[%get3A_1142] {strides = array<i32>} : memref<768xf32, #tpu.memory_space<vmem>>, vector<16xf32>,
        %mul3A_1144 = arith.mulf %mul3A_1141, %get3A_1143 : vector<16xf32>
        %get3A_1145 = arith.constant 496 : index
        %get3A_1146 = tpu.vector_load %arg10[%get3A_1145] {strides = array<i32>} : memref<768xf32, #tpu.memory_space<vmem>>, vector<16xf32>,
        %add3A_1147 = arith.addf %mul3A_1144, %get3A_1146 : vector<16xf32>
        %swap3A_1148 = arith.index_cast %add3A_28 : i32 to index
        %swap3A_1149 = arith.constant 496 : index
        %swap3A_1150 = tpu.vector_load %arg12[%swap3A_1148, %swap3A_1149] {strides = array<i32>} : memref<16x768xf32, #tpu.memory_space<vmem>>, vector<16xf32>,
        tpu.vector_store %arg12[%swap3A_1148, %swap3A_1149], %add3A_1147 {strides = array<i32>} : memref<16x768xf32, #tpu.memory_space<vmem>>, vector<16xf32>,
        %get3A_1151 = arith.index_cast %add3A_28 : i32 to index
        %get3A_1152 = arith.constant 512 : index
        %get3A_1153 = tpu.vector_load %arg12[%get3A_1151, %get3A_1152] {strides = array<i32>} : memref<16x768xf32, #tpu.memory_space<vmem>>, vector<16xf32>,
        %sub3A_1154 = arith.subf %get3A_1153, %broadcast_in_dim3A_702 : vector<16xf32>
        %mul3A_1155 = arith.mulf %sub3A_1154, %mul3A_701 : vector<16xf32>
        %get3A_1156 = arith.constant 512 : index
        %get3A_1157 = tpu.vector_load %arg9[%get3A_1156] {strides = array<i32>} : memref<768xf32, #tpu.memory_space<vmem>>, vector<16xf32>,
        %mul3A_1158 = arith.mulf %mul3A_1155, %get3A_1157 : vector<16xf32>
        %get3A_1159 = arith.constant 512 : index
        %get3A_1160 = tpu.vector_load %arg10[%get3A_1159] {strides = array<i32>} : memref<768xf32, #tpu.memory_space<vmem>>, vector<16xf32>,
        %add3A_1161 = arith.addf %mul3A_1158, %get3A_1160 : vector<16xf32>
        %swap3A_1162 = arith.index_cast %add3A_28 : i32 to index
        %swap3A_1163 = arith.constant 512 : index
        %swap3A_1164 = tpu.vector_load %arg12[%swap3A_1162, %swap3A_1163] {strides = array<i32>} : memref<16x768xf32, #tpu.memory_space<vmem>>, vector<16xf32>,
        tpu.vector_store %arg12[%swap3A_1162, %swap3A_1163], %add3A_1161 {strides = array<i32>} : memref<16x768xf32, #tpu.memory_space<vmem>>, vector<16xf32>,
        %get3A_1165 = arith.index_cast %add3A_28 : i32 to index
        %get3A_1166 = arith.constant 528 : index
        %get3A_1167 = tpu.vector_load %arg12[%get3A_1165, %get3A_1166] {strides = array<i32>} : memref<16x768xf32, #tpu.memory_space<vmem>>, vector<16xf32>,
        %sub3A_1168 = arith.subf %get3A_1167, %broadcast_in_dim3A_702 : vector<16xf32>
        %mul3A_1169 = arith.mulf %sub3A_1168, %mul3A_701 : vector<16xf32>
        %get3A_1170 = arith.constant 528 : index
        %get3A_1171 = tpu.vector_load %arg9[%get3A_1170] {strides = array<i32>} : memref<768xf32, #tpu.memory_space<vmem>>, vector<16xf32>,
        %mul3A_1172 = arith.mulf %mul3A_1169, %get3A_1171 : vector<16xf32>
        %get3A_1173 = arith.constant 528 : index
        %get3A_1174 = tpu.vector_load %arg10[%get3A_1173] {strides = array<i32>} : memref<768xf32, #tpu.memory_space<vmem>>, vector<16xf32>,
        %add3A_1175 = arith.addf %mul3A_1172, %get3A_1174 : vector<16xf32>
        %swap3A_1176 = arith.index_cast %add3A_28 : i32 to index
        %swap3A_1177 = arith.constant 528 : index
        %swap3A_1178 = tpu.vector_load %arg12[%swap3A_1176, %swap3A_1177] {strides = array<i32>} : memref<16x768xf32, #tpu.memory_space<vmem>>, vector<16xf32>,
        tpu.vector_store %arg12[%swap3A_1176, %swap3A_1177], %add3A_1175 {strides = array<i32>} : memref<16x768xf32, #tpu.memory_space<vmem>>, vector<16xf32>,
        %get3A_1179 = arith.index_cast %add3A_28 : i32 to index
        %get3A_1180 = arith.constant 544 : index
        %get3A_1181 = tpu.vector_load %arg12[%get3A_1179, %get3A_1180] {strides = array<i32>} : memref<16x768xf32, #tpu.memory_space<vmem>>, vector<16xf32>,
        %sub3A_1182 = arith.subf %get3A_1181, %broadcast_in_dim3A_702 : vector<16xf32>
        %mul3A_1183 = arith.mulf %sub3A_1182, %mul3A_701 : vector<16xf32>
        %get3A_1184 = arith.constant 544 : index
        %get3A_1185 = tpu.vector_load %arg9[%get3A_1184] {strides = array<i32>} : memref<768xf32, #tpu.memory_space<vmem>>, vector<16xf32>,
        %mul3A_1186 = arith.mulf %mul3A_1183, %get3A_1185 : vector<16xf32>
        %get3A_1187 = arith.constant 544 : index
        %get3A_1188 = tpu.vector_load %arg10[%get3A_1187] {strides = array<i32>} : memref<768xf32, #tpu.memory_space<vmem>>, vector<16xf32>,
        %add3A_1189 = arith.addf %mul3A_1186, %get3A_1188 : vector<16xf32>
        %swap3A_1190 = arith.index_cast %add3A_28 : i32 to index
        %swap3A_1191 = arith.constant 544 : index
        %swap3A_1192 = tpu.vector_load %arg12[%swap3A_1190, %swap3A_1191] {strides = array<i32>} : memref<16x768xf32, #tpu.memory_space<vmem>>, vector<16xf32>,
        tpu.vector_store %arg12[%swap3A_1190, %swap3A_1191], %add3A_1189 {strides = array<i32>} : memref<16x768xf32, #tpu.memory_space<vmem>>, vector<16xf32>,
        %get3A_1193 = arith.index_cast %add3A_28 : i32 to index
        %get3A_1194 = arith.constant 560 : index
        %get3A_1195 = tpu.vector_load %arg12[%get3A_1193, %get3A_1194] {strides = array<i32>} : memref<16x768xf32, #tpu.memory_space<vmem>>, vector<16xf32>,
        %sub3A_1196 = arith.subf %get3A_1195, %broadcast_in_dim3A_702 : vector<16xf32>
        %mul3A_1197 = arith.mulf %sub3A_1196, %mul3A_701 : vector<16xf32>
        %get3A_1198 = arith.constant 560 : index
        %get3A_1199 = tpu.vector_load %arg9[%get3A_1198] {strides = array<i32>} : memref<768xf32, #tpu.memory_space<vmem>>, vector<16xf32>,
        %mul3A_1200 = arith.mulf %mul3A_1197, %get3A_1199 : vector<16xf32>
        %get3A_1201 = arith.constant 560 : index
        %get3A_1202 = tpu.vector_load %arg10[%get3A_1201] {strides = array<i32>} : memref<768xf32, #tpu.memory_space<vmem>>, vector<16xf32>,
        %add3A_1203 = arith.addf %mul3A_1200, %get3A_1202 : vector<16xf32>
        %swap3A_1204 = arith.index_cast %add3A_28 : i32 to index
        %swap3A_1205 = arith.constant 560 : index
        %swap3A_1206 = tpu.vector_load %arg12[%swap3A_1204, %swap3A_1205] {strides = array<i32>} : memref<16x768xf32, #tpu.memory_space<vmem>>, vector<16xf32>,
        tpu.vector_store %arg12[%swap3A_1204, %swap3A_1205], %add3A_1203 {strides = array<i32>} : memref<16x768xf32, #tpu.memory_space<vmem>>, vector<16xf32>,
        %get3A_1207 = arith.index_cast %add3A_28 : i32 to index
        %get3A_1208 = arith.constant 576 : index
        %get3A_1209 = tpu.vector_load %arg12[%get3A_1207, %get3A_1208] {strides = array<i32>} : memref<16x768xf32, #tpu.memory_space<vmem>>, vector<16xf32>,
        %sub3A_1210 = arith.subf %get3A_1209, %broadcast_in_dim3A_702 : vector<16xf32>
        %mul3A_1211 = arith.mulf %sub3A_1210, %mul3A_701 : vector<16xf32>
        %get3A_1212 = arith.constant 576 : index
        %get3A_1213 = tpu.vector_load %arg9[%get3A_1212] {strides = array<i32>} : memref<768xf32, #tpu.memory_space<vmem>>, vector<16xf32>,
        %mul3A_1214 = arith.mulf %mul3A_1211, %get3A_1213 : vector<16xf32>
        %get3A_1215 = arith.constant 576 : index
        %get3A_1216 = tpu.vector_load %arg10[%get3A_1215] {strides = array<i32>} : memref<768xf32, #tpu.memory_space<vmem>>, vector<16xf32>,
        %add3A_1217 = arith.addf %mul3A_1214, %get3A_1216 : vector<16xf32>
        %swap3A_1218 = arith.index_cast %add3A_28 : i32 to index
        %swap3A_1219 = arith.constant 576 : index
        %swap3A_1220 = tpu.vector_load %arg12[%swap3A_1218, %swap3A_1219] {strides = array<i32>} : memref<16x768xf32, #tpu.memory_space<vmem>>, vector<16xf32>,
        tpu.vector_store %arg12[%swap3A_1218, %swap3A_1219], %add3A_1217 {strides = array<i32>} : memref<16x768xf32, #tpu.memory_space<vmem>>, vector<16xf32>,
        %get3A_1221 = arith.index_cast %add3A_28 : i32 to index
        %get3A_1222 = arith.constant 592 : index
        %get3A_1223 = tpu.vector_load %arg12[%get3A_1221, %get3A_1222] {strides = array<i32>} : memref<16x768xf32, #tpu.memory_space<vmem>>, vector<16xf32>,
        %sub3A_1224 = arith.subf %get3A_1223, %broadcast_in_dim3A_702 : vector<16xf32>
        %mul3A_1225 = arith.mulf %sub3A_1224, %mul3A_701 : vector<16xf32>
        %get3A_1226 = arith.constant 592 : index
        %get3A_1227 = tpu.vector_load %arg9[%get3A_1226] {strides = array<i32>} : memref<768xf32, #tpu.memory_space<vmem>>, vector<16xf32>,
        %mul3A_1228 = arith.mulf %mul3A_1225, %get3A_1227 : vector<16xf32>
        %get3A_1229 = arith.constant 592 : index
        %get3A_1230 = tpu.vector_load %arg10[%get3A_1229] {strides = array<i32>} : memref<768xf32, #tpu.memory_space<vmem>>, vector<16xf32>,
        %add3A_1231 = arith.addf %mul3A_1228, %get3A_1230 : vector<16xf32>
        %swap3A_1232 = arith.index_cast %add3A_28 : i32 to index
        %swap3A_1233 = arith.constant 592 : index
        %swap3A_1234 = tpu.vector_load %arg12[%swap3A_1232, %swap3A_1233] {strides = array<i32>} : memref<16x768xf32, #tpu.memory_space<vmem>>, vector<16xf32>,
        tpu.vector_store %arg12[%swap3A_1232, %swap3A_1233], %add3A_1231 {strides = array<i32>} : memref<16x768xf32, #tpu.memory_space<vmem>>, vector<16xf32>,
        %get3A_1235 = arith.index_cast %add3A_28 : i32 to index
        %get3A_1236 = arith.constant 608 : index
        %get3A_1237 = tpu.vector_load %arg12[%get3A_1235, %get3A_1236] {strides = array<i32>} : memref<16x768xf32, #tpu.memory_space<vmem>>, vector<16xf32>,
        %sub3A_1238 = arith.subf %get3A_1237, %broadcast_in_dim3A_702 : vector<16xf32>
        %mul3A_1239 = arith.mulf %sub3A_1238, %mul3A_701 : vector<16xf32>
        %get3A_1240 = arith.constant 608 : index
        %get3A_1241 = tpu.vector_load %arg9[%get3A_1240] {strides = array<i32>} : memref<768xf32, #tpu.memory_space<vmem>>, vector<16xf32>,
        %mul3A_1242 = arith.mulf %mul3A_1239, %get3A_1241 : vector<16xf32>
        %get3A_1243 = arith.constant 608 : index
        %get3A_1244 = tpu.vector_load %arg10[%get3A_1243] {strides = array<i32>} : memref<768xf32, #tpu.memory_space<vmem>>, vector<16xf32>,
        %add3A_1245 = arith.addf %mul3A_1242, %get3A_1244 : vector<16xf32>
        %swap3A_1246 = arith.index_cast %add3A_28 : i32 to index
        %swap3A_1247 = arith.constant 608 : index
        %swap3A_1248 = tpu.vector_load %arg12[%swap3A_1246, %swap3A_1247] {strides = array<i32>} : memref<16x768xf32, #tpu.memory_space<vmem>>, vector<16xf32>,
        tpu.vector_store %arg12[%swap3A_1246, %swap3A_1247], %add3A_1245 {strides = array<i32>} : memref<16x768xf32, #tpu.memory_space<vmem>>, vector<16xf32>,
        %get3A_1249 = arith.index_cast %add3A_28 : i32 to index
        %get3A_1250 = arith.constant 624 : index
        %get3A_1251 = tpu.vector_load %arg12[%get3A_1249, %get3A_1250] {strides = array<i32>} : memref<16x768xf32, #tpu.memory_space<vmem>>, vector<16xf32>,
        %sub3A_1252 = arith.subf %get3A_1251, %broadcast_in_dim3A_702 : vector<16xf32>
        %mul3A_1253 = arith.mulf %sub3A_1252, %mul3A_701 : vector<16xf32>
        %get3A_1254 = arith.constant 624 : index
        %get3A_1255 = tpu.vector_load %arg9[%get3A_1254] {strides = array<i32>} : memref<768xf32, #tpu.memory_space<vmem>>, vector<16xf32>,
        %mul3A_1256 = arith.mulf %mul3A_1253, %get3A_1255 : vector<16xf32>
        %get3A_1257 = arith.constant 624 : index
        %get3A_1258 = tpu.vector_load %arg10[%get3A_1257] {strides = array<i32>} : memref<768xf32, #tpu.memory_space<vmem>>, vector<16xf32>,
        %add3A_1259 = arith.addf %mul3A_1256, %get3A_1258 : vector<16xf32>
        %swap3A_1260 = arith.index_cast %add3A_28 : i32 to index
        %swap3A_1261 = arith.constant 624 : index
        %swap3A_1262 = tpu.vector_load %arg12[%swap3A_1260, %swap3A_1261] {strides = array<i32>} : memref<16x768xf32, #tpu.memory_space<vmem>>, vector<16xf32>,
        tpu.vector_store %arg12[%swap3A_1260, %swap3A_1261], %add3A_1259 {strides = array<i32>} : memref<16x768xf32, #tpu.memory_space<vmem>>, vector<16xf32>,
        %get3A_1263 = arith.index_cast %add3A_28 : i32 to index
        %get3A_1264 = arith.constant 640 : index
        %get3A_1265 = tpu.vector_load %arg12[%get3A_1263, %get3A_1264] {strides = array<i32>} : memref<16x768xf32, #tpu.memory_space<vmem>>, vector<16xf32>,
        %sub3A_1266 = arith.subf %get3A_1265, %broadcast_in_dim3A_702 : vector<16xf32>
        %mul3A_1267 = arith.mulf %sub3A_1266, %mul3A_701 : vector<16xf32>
        %get3A_1268 = arith.constant 640 : index
        %get3A_1269 = tpu.vector_load %arg9[%get3A_1268] {strides = array<i32>} : memref<768xf32, #tpu.memory_space<vmem>>, vector<16xf32>,
        %mul3A_1270 = arith.mulf %mul3A_1267, %get3A_1269 : vector<16xf32>
        %get3A_1271 = arith.constant 640 : index
        %get3A_1272 = tpu.vector_load %arg10[%get3A_1271] {strides = array<i32>} : memref<768xf32, #tpu.memory_space<vmem>>, vector<16xf32>,
        %add3A_1273 = arith.addf %mul3A_1270, %get3A_1272 : vector<16xf32>
        %swap3A_1274 = arith.index_cast %add3A_28 : i32 to index
        %swap3A_1275 = arith.constant 640 : index
        %swap3A_1276 = tpu.vector_load %arg12[%swap3A_1274, %swap3A_1275] {strides = array<i32>} : memref<16x768xf32, #tpu.memory_space<vmem>>, vector<16xf32>,
        tpu.vector_store %arg12[%swap3A_1274, %swap3A_1275], %add3A_1273 {strides = array<i32>} : memref<16x768xf32, #tpu.memory_space<vmem>>, vector<16xf32>,
        %get3A_1277 = arith.index_cast %add3A_28 : i32 to index
        %get3A_1278 = arith.constant 656 : index
        %get3A_1279 = tpu.vector_load %arg12[%get3A_1277, %get3A_1278] {strides = array<i32>} : memref<16x768xf32, #tpu.memory_space<vmem>>, vector<16xf32>,
        %sub3A_1280 = arith.subf %get3A_1279, %broadcast_in_dim3A_702 : vector<16xf32>
        %mul3A_1281 = arith.mulf %sub3A_1280, %mul3A_701 : vector<16xf32>
        %get3A_1282 = arith.constant 656 : index
        %get3A_1283 = tpu.vector_load %arg9[%get3A_1282] {strides = array<i32>} : memref<768xf32, #tpu.memory_space<vmem>>, vector<16xf32>,
        %mul3A_1284 = arith.mulf %mul3A_1281, %get3A_1283 : vector<16xf32>
        %get3A_1285 = arith.constant 656 : index
        %get3A_1286 = tpu.vector_load %arg10[%get3A_1285] {strides = array<i32>} : memref<768xf32, #tpu.memory_space<vmem>>, vector<16xf32>,
        %add3A_1287 = arith.addf %mul3A_1284, %get3A_1286 : vector<16xf32>
        %swap3A_1288 = arith.index_cast %add3A_28 : i32 to index
        %swap3A_1289 = arith.constant 656 : index
        %swap3A_1290 = tpu.vector_load %arg12[%swap3A_1288, %swap3A_1289] {strides = array<i32>} : memref<16x768xf32, #tpu.memory_space<vmem>>, vector<16xf32>,
        tpu.vector_store %arg12[%swap3A_1288, %swap3A_1289], %add3A_1287 {strides = array<i32>} : memref<16x768xf32, #tpu.memory_space<vmem>>, vector<16xf32>,
        %get3A_1291 = arith.index_cast %add3A_28 : i32 to index
        %get3A_1292 = arith.constant 672 : index
        %get3A_1293 = tpu.vector_load %arg12[%get3A_1291, %get3A_1292] {strides = array<i32>} : memref<16x768xf32, #tpu.memory_space<vmem>>, vector<16xf32>,
        %sub3A_1294 = arith.subf %get3A_1293, %broadcast_in_dim3A_702 : vector<16xf32>
        %mul3A_1295 = arith.mulf %sub3A_1294, %mul3A_701 : vector<16xf32>
        %get3A_1296 = arith.constant 672 : index
        %get3A_1297 = tpu.vector_load %arg9[%get3A_1296] {strides = array<i32>} : memref<768xf32, #tpu.memory_space<vmem>>, vector<16xf32>,
        %mul3A_1298 = arith.mulf %mul3A_1295, %get3A_1297 : vector<16xf32>
        %get3A_1299 = arith.constant 672 : index
        %get3A_1300 = tpu.vector_load %arg10[%get3A_1299] {strides = array<i32>} : memref<768xf32, #tpu.memory_space<vmem>>, vector<16xf32>,
        %add3A_1301 = arith.addf %mul3A_1298, %get3A_1300 : vector<16xf32>
        %swap3A_1302 = arith.index_cast %add3A_28 : i32 to index
        %swap3A_1303 = arith.constant 672 : index
        %swap3A_1304 = tpu.vector_load %arg12[%swap3A_1302, %swap3A_1303] {strides = array<i32>} : memref<16x768xf32, #tpu.memory_space<vmem>>, vector<16xf32>,
        tpu.vector_store %arg12[%swap3A_1302, %swap3A_1303], %add3A_1301 {strides = array<i32>} : memref<16x768xf32, #tpu.memory_space<vmem>>, vector<16xf32>,
        %get3A_1305 = arith.index_cast %add3A_28 : i32 to index
        %get3A_1306 = arith.constant 688 : index
        %get3A_1307 = tpu.vector_load %arg12[%get3A_1305, %get3A_1306] {strides = array<i32>} : memref<16x768xf32, #tpu.memory_space<vmem>>, vector<16xf32>,
        %sub3A_1308 = arith.subf %get3A_1307, %broadcast_in_dim3A_702 : vector<16xf32>
        %mul3A_1309 = arith.mulf %sub3A_1308, %mul3A_701 : vector<16xf32>
        %get3A_1310 = arith.constant 688 : index
        %get3A_1311 = tpu.vector_load %arg9[%get3A_1310] {strides = array<i32>} : memref<768xf32, #tpu.memory_space<vmem>>, vector<16xf32>,
        %mul3A_1312 = arith.mulf %mul3A_1309, %get3A_1311 : vector<16xf32>
        %get3A_1313 = arith.constant 688 : index
        %get3A_1314 = tpu.vector_load %arg10[%get3A_1313] {strides = array<i32>} : memref<768xf32, #tpu.memory_space<vmem>>, vector<16xf32>,
        %add3A_1315 = arith.addf %mul3A_1312, %get3A_1314 : vector<16xf32>
        %swap3A_1316 = arith.index_cast %add3A_28 : i32 to index
        %swap3A_1317 = arith.constant 688 : index
        %swap3A_1318 = tpu.vector_load %arg12[%swap3A_1316, %swap3A_1317] {strides = array<i32>} : memref<16x768xf32, #tpu.memory_space<vmem>>, vector<16xf32>,
        tpu.vector_store %arg12[%swap3A_1316, %swap3A_1317], %add3A_1315 {strides = array<i32>} : memref<16x768xf32, #tpu.memory_space<vmem>>, vector<16xf32>,
        %get3A_1319 = arith.index_cast %add3A_28 : i32 to index
        %get3A_1320 = arith.constant 704 : index
        %get3A_1321 = tpu.vector_load %arg12[%get3A_1319, %get3A_1320] {strides = array<i32>} : memref<16x768xf32, #tpu.memory_space<vmem>>, vector<16xf32>,
        %sub3A_1322 = arith.subf %get3A_1321, %broadcast_in_dim3A_702 : vector<16xf32>
        %mul3A_1323 = arith.mulf %sub3A_1322, %mul3A_701 : vector<16xf32>
        %get3A_1324 = arith.constant 704 : index
        %get3A_1325 = tpu.vector_load %arg9[%get3A_1324] {strides = array<i32>} : memref<768xf32, #tpu.memory_space<vmem>>, vector<16xf32>,
        %mul3A_1326 = arith.mulf %mul3A_1323, %get3A_1325 : vector<16xf32>
        %get3A_1327 = arith.constant 704 : index
        %get3A_1328 = tpu.vector_load %arg10[%get3A_1327] {strides = array<i32>} : memref<768xf32, #tpu.memory_space<vmem>>, vector<16xf32>,
        %add3A_1329 = arith.addf %mul3A_1326, %get3A_1328 : vector<16xf32>
        %swap3A_1330 = arith.index_cast %add3A_28 : i32 to index
        %swap3A_1331 = arith.constant 704 : index
        %swap3A_1332 = tpu.vector_load %arg12[%swap3A_1330, %swap3A_1331] {strides = array<i32>} : memref<16x768xf32, #tpu.memory_space<vmem>>, vector<16xf32>,
        tpu.vector_store %arg12[%swap3A_1330, %swap3A_1331], %add3A_1329 {strides = array<i32>} : memref<16x768xf32, #tpu.memory_space<vmem>>, vector<16xf32>,
        %get3A_1333 = arith.index_cast %add3A_28 : i32 to index
        %get3A_1334 = arith.constant 720 : index
        %get3A_1335 = tpu.vector_load %arg12[%get3A_1333, %get3A_1334] {strides = array<i32>} : memref<16x768xf32, #tpu.memory_space<vmem>>, vector<16xf32>,
        %sub3A_1336 = arith.subf %get3A_1335, %broadcast_in_dim3A_702 : vector<16xf32>
        %mul3A_1337 = arith.mulf %sub3A_1336, %mul3A_701 : vector<16xf32>
        %get3A_1338 = arith.constant 720 : index
        %get3A_1339 = tpu.vector_load %arg9[%get3A_1338] {strides = array<i32>} : memref<768xf32, #tpu.memory_space<vmem>>, vector<16xf32>,
        %mul3A_1340 = arith.mulf %mul3A_1337, %get3A_1339 : vector<16xf32>
        %get3A_1341 = arith.constant 720 : index
        %get3A_1342 = tpu.vector_load %arg10[%get3A_1341] {strides = array<i32>} : memref<768xf32, #tpu.memory_space<vmem>>, vector<16xf32>,
        %add3A_1343 = arith.addf %mul3A_1340, %get3A_1342 : vector<16xf32>
        %swap3A_1344 = arith.index_cast %add3A_28 : i32 to index
        %swap3A_1345 = arith.constant 720 : index
        %swap3A_1346 = tpu.vector_load %arg12[%swap3A_1344, %swap3A_1345] {strides = array<i32>} : memref<16x768xf32, #tpu.memory_space<vmem>>, vector<16xf32>,
        tpu.vector_store %arg12[%swap3A_1344, %swap3A_1345], %add3A_1343 {strides = array<i32>} : memref<16x768xf32, #tpu.memory_space<vmem>>, vector<16xf32>,
        %get3A_1347 = arith.index_cast %add3A_28 : i32 to index
        %get3A_1348 = arith.constant 736 : index
        %get3A_1349 = tpu.vector_load %arg12[%get3A_1347, %get3A_1348] {strides = array<i32>} : memref<16x768xf32, #tpu.memory_space<vmem>>, vector<16xf32>,
        %sub3A_1350 = arith.subf %get3A_1349, %broadcast_in_dim3A_702 : vector<16xf32>
        %mul3A_1351 = arith.mulf %sub3A_1350, %mul3A_701 : vector<16xf32>
        %get3A_1352 = arith.constant 736 : index
        %get3A_1353 = tpu.vector_load %arg9[%get3A_1352] {strides = array<i32>} : memref<768xf32, #tpu.memory_space<vmem>>, vector<16xf32>,
        %mul3A_1354 = arith.mulf %mul3A_1351, %get3A_1353 : vector<16xf32>
        %get3A_1355 = arith.constant 736 : index
        %get3A_1356 = tpu.vector_load %arg10[%get3A_1355] {strides = array<i32>} : memref<768xf32, #tpu.memory_space<vmem>>, vector<16xf32>,
        %add3A_1357 = arith.addf %mul3A_1354, %get3A_1356 : vector<16xf32>
        %swap3A_1358 = arith.index_cast %add3A_28 : i32 to index
        %swap3A_1359 = arith.constant 736 : index
        %swap3A_1360 = tpu.vector_load %arg12[%swap3A_1358, %swap3A_1359] {strides = array<i32>} : memref<16x768xf32, #tpu.memory_space<vmem>>, vector<16xf32>,
        tpu.vector_store %arg12[%swap3A_1358, %swap3A_1359], %add3A_1357 {strides = array<i32>} : memref<16x768xf32, #tpu.memory_space<vmem>>, vector<16xf32>,
        %get3A_1361 = arith.index_cast %add3A_28 : i32 to index
        %get3A_1362 = arith.constant 752 : index
        %get3A_1363 = tpu.vector_load %arg12[%get3A_1361, %get3A_1362] {strides = array<i32>} : memref<16x768xf32, #tpu.memory_space<vmem>>, vector<16xf32>,
        %sub3A_1364 = arith.subf %get3A_1363, %broadcast_in_dim3A_702 : vector<16xf32>
        %mul3A_1365 = arith.mulf %sub3A_1364, %mul3A_701 : vector<16xf32>
        %get3A_1366 = arith.constant 752 : index
        %get3A_1367 = tpu.vector_load %arg9[%get3A_1366] {strides = array<i32>} : memref<768xf32, #tpu.memory_space<vmem>>, vector<16xf32>,
        %mul3A_1368 = arith.mulf %mul3A_1365, %get3A_1367 : vector<16xf32>
        %get3A_1369 = arith.constant 752 : index
        %get3A_1370 = tpu.vector_load %arg10[%get3A_1369] {strides = array<i32>} : memref<768xf32, #tpu.memory_space<vmem>>, vector<16xf32>,
        %add3A_1371 = arith.addf %mul3A_1368, %get3A_1370 : vector<16xf32>
        %swap3A_1372 = arith.index_cast %add3A_28 : i32 to index
        %swap3A_1373 = arith.constant 752 : index
        %swap3A_1374 = tpu.vector_load %arg12[%swap3A_1372, %swap3A_1373] {strides = array<i32>} : memref<16x768xf32, #tpu.memory_space<vmem>>, vector<16xf32>,
        tpu.vector_store %arg12[%swap3A_1372, %swap3A_1373], %add3A_1371 {strides = array<i32>} : memref<16x768xf32, #tpu.memory_space<vmem>>, vector<16xf32>,
      }
      %scan3A_23 = arith.constant 16 : i32
      "tpu.region"() ({
        %run_scoped3A = tpu.sem_alloc : memref<!tpu.dma_semaphore, #tpu.memory_space<semaphore_mem>>
        %dma_start3A_24 = arith.constant 0 : i32
        %dma_start3A_25 = tpu.memref_slice %arg7[%add3A_14, %dma_start3A_24] : memref<65536x768xf32, #tpu.memory_space<hbm>> -> memref<16x768xf32, #tpu.memory_space<hbm>>
        %dma_start3A_26 = arith.constant 0 : i32
        %dma_start3A_27 = tpu.memref_slice %arg7[%add3A_14, %dma_start3A_26] : memref<65536x768xf32, #tpu.memory_space<hbm>> -> memref<16x768xf32, #tpu.memory_space<hbm>>
        tpu.enqueue_dma source(%arg12 : memref<16x768xf32, #tpu.memory_space<vmem>>) target(%dma_start3A_27 : memref<16x768xf32, #tpu.memory_space<hbm>>) target_semaphore(%run_scoped3A : memref<!tpu.dma_semaphore, #tpu.memory_space<semaphore_mem>>)
        %dma_wait3A_28 = arith.constant 0 : i32
        %dma_wait3A_29 = tpu.memref_slice %arg7[%add3A_14, %dma_wait3A_28] : memref<65536x768xf32, #tpu.memory_space<hbm>> -> memref<16x768xf32, #tpu.memory_space<hbm>>
        %dma_wait3A_30 = arith.constant 0 : i32
        %dma_wait3A_31 = tpu.memref_slice %arg7[%add3A_14, %dma_wait3A_30] : memref<65536x768xf32, #tpu.memory_space<hbm>> -> memref<16x768xf32, #tpu.memory_space<hbm>>
        tpu.wait_dma2 semaphore(%run_scoped3A : memref<!tpu.dma_semaphore, #tpu.memory_space<semaphore_mem>>) src(%arg12 : memref<16x768xf32, #tpu.memory_space<vmem>>) dst(%dma_wait3A_31 : memref<16x768xf32, #tpu.memory_space<hbm>>)
        tpu.yield
      }) : () -> ()
    }
    %scan3A_6 = arith.constant 128 : i32
    return
  }
}

</mosaic_0001>

<sc_bundles>
// kernel: kernel.3.cloned.1.call-start
scs
__scs_entry_jumppad:
0x0: {  	(pc) =	sbr.rel $0x88, $3  }
0x1: {  	(tag) =	ssettag $0x0;
	lr =	simm.s32 $0x1  }
0x2: {  	[smem:$0x3F9C] =	sst lr;
	_ =	strace $0xD0000000  }
0x3: {  	_ = 	snop  }
0x4: {  	_ = 	snop  }
0x5: {  	_ = 	snop  }
0x6: {  	_ = 	snop  }
0x7: {  	_ = 	snop  }
__scs_overlays_trampoline_lowered:
0x8: {  	[smem:$0x3FAB] =	sst s0  }
0x9: {  	[smem:$0x3FAC] =	sst s1  }
0xa: {  	[smem:$0x3FAD] =	sst s2  }
0xb: {  	[smem:$0x3FAE] =	sst s3  }
0xc: {  	[smem:$0x3FAF] =	sst s4  }
0xd: {  	[smem:$0x3FB0] =	sst s5  }
0xe: {  	[smem:$0x3FB1] =	sst s6  }
0xf: {  	[smem:$0x3FB2] =	sst s7  }
0x10: {  	[smem:$0x3FB3] =	sst s8  }
0x11: {  	[smem:$0x3FB4] =	sst s9;
	s0 =	simm.s32 @!p0 $0x0  }
0x12: {  	s1 =	sld [smem:$0x3F9A];
	s0 =	simm.s32 @p0 $0x1  }
0x13: {  	[smem:$0x3FB5] =	sst s0;
	s0 =	simm.s32 @!p1 $0x0  }
0x14: {  	s2 =	sld [smem:$0x3F99];
	s0 =	simm.s32 @p1 $0x1  }
0x15: {  	[smem:$0x3FB6] =	sst s0;
	s0 =	simm.s32 @!p2 $0x0  }
0x16: {  	s3 =	sld [smem:$0x3FDB];
	s0 =	simm.s32 @p2 $0x1  }
0x17: {  	s4 =	simm.s32 $0x1BF5;
	[smem:$0x3FB8] =	sst s0  }
0x18: {  	s0 =	sld [smem:$0x3F9B];
	_ =	swait.ge [sflag:s4], $0x0  }
0x19: {  	s7 =	sld [smem:$0x3F9C]  }
0x1a: {  	s8 =	sadd.s32 $0xFFFFE003, lr  }
0x1b: {  	s9 =	sadd.s32 $0xFFFFFEF7, lr;
	s5 =	simm.s32 $0xFFFFFFFF;
	p2 =	slt.u32 s8, $0xFFFFF086  }
0x1c: {  	p1 =	slt.u32 s9, $0xF7A;
	s5 =	simm.s32 @!p2 $0x0  }
0x1d: {  	s5 =	simm.s32 @p1 $0x1;
	p0 =	seq.s32 s7, s2  }
0x1e: {  	s7 =	smul.u32 @!p0 $0xF7A, s2;
	p2 =	seq.s32 @!p0 s5, $0x0  }
0x1f: {  	s9 =	smul.u32 $0xF7A, s1;
	s8 =	simm.s32 @!p0 $0x1BF5;
	p2 =	por !p2, p0  }
0x20: {  	[sflag:s8] =	ssyncset.s32 @!p0 $0xFFFFF086;
	s6 =	sadd.s32 @!p0 s3, s7;
	s7 =	simm.s32 @!p0 $0x108  }
0x21: {  	s3 =	sadd.s32 s3, s9;
	s6 =	sadd.s32 @!p0 $0x88, s6;
	s7 =	simm.s32 @p2 $0x1082  }
0x22: {  	[simem:s7], [sflag:s8] =	dma.local @!p0 [hbm:s6], $0xF7A  }
0x23: {  	s9 =	sor.u32 $0xD0000000, s2;
	s6 =	simm.s32 $0x108;
	_ =	swait.ge @!p0 [sflag:s8], $0x0  }
0x24: {  	s3 =	sadd.s32 $0x88, s3;
	s6 =	simm.s32 @!p1 $0x1082;
	[sflag:s4] =	ssyncset.s32 $0xFFFFF086  }
0x25: {  	[simem:s6], [sflag:s4] =	dma.local [hbm:s3], $0xF7A  }
0x26: {  	[smem:$0x3F9C] =	sst s1;
	(tag) =	ssettag s2;
	_ =	strace s9  }
0x27: {  	s1 =	sld [smem:$0x3FAC]  }
0x28: {  	s2 =	sld [smem:$0x3FAD]  }
0x29: {  	s4 =	sld [smem:$0x3FAF]  }
0x2a: {  	p0 =	seq.s32 s5, $0x0;
	s5 =	sld [smem:$0x3FB0]  }
0x2b: {  	s6 =	sld [smem:$0x3FB1]  }
0x2c: {  	s7 =	sld [smem:$0x3FB2]  }
0x2d: {  	s3 =	simm.s32 $0x108;
	s8 =	sld [smem:$0x3FB3]  }
0x2e: {  	s3 =	simm.s32 @!p0 $0x1082;
	s9 =	sld [smem:$0x3FB4]  }
0x2f: {  	lr =	sadd.s32 s0, s3;
	s0 =	sld [smem:$0x3FAB]  }
0x30: {  	s3 =	sld [smem:$0x3FAE]  }
0x31: {  	[smem:$0x3FB7] =	sst s10  }
0x32: {  	s10 =	sld [smem:$0x3FB5];
	_ =	sdelay $0x3  }
0x33: {  	p0 =	seq.s32 s10, $0x1;
	s10 =	sld [smem:$0x3FB7];
	_ =	sdelay $0x3  }
0x34: {  	[smem:$0x3FB7] =	sst s10  }
0x35: {  	s10 =	sld [smem:$0x3FB6];
	_ =	sdelay $0x3  }
0x36: {  	p1 =	seq.s32 s10, $0x1;
	s10 =	sld [smem:$0x3FB7];
	_ =	sdelay $0x3  }
0x37: {  	[smem:$0x3FB7] =	sst s10  }
0x38: {  	s10 =	sld [smem:$0x3FB8]  }
0x39: {  	_ = 	snop;
	(pc) =	sbr.ind lr, $3  }
0x3a: {  	_ = 	snop  }
0x3b: {  	_ = 	snop  }
0x3c: {  	p2 =	seq.s32 s10, $0x1;
	s10 =	sld [smem:$0x3FB7]  }
0x3d: {  	_ =	shalt  }
0x3e: {  	_ =	shalt  }
0x3f: {  	_ =	shalt  }
0x40: {  	_ =	shalt  }
0x41: {  	_ =	shalt  }
0x42: {  	_ =	shalt  }
0x43: {  	_ =	shalt  }
0x44: {  	_ =	shalt  }
0x45: {  	_ =	shalt  }
0x46: {  	_ =	shalt  }
0x47: {  	_ =	shalt  }
0x48: {  	_ =	shalt  }
0x49: {  	_ =	shalt  }
0x4a: {  	_ =	shalt  }
0x4b: {  	_ =	shalt  }
0x4c: {  	_ =	shalt  }
0x4d: {  	_ =	shalt  }
0x4e: {  	_ =	shalt  }
0x4f: {  	_ =	shalt  }
0x50: {  	_ =	shalt  }
0x51: {  	_ =	shalt  }
0x52: {  	_ =	shalt  }
0x53: {  	_ =	shalt  }
0x54: {  	_ =	shalt  }
0x55: {  	_ =	shalt  }
0x56: {  	_ =	shalt  }
0x57: {  	_ =	shalt  }
0x58: {  	_ =	shalt  }
0x59: {  	_ =	shalt  }
0x5a: {  	_ =	shalt  }
0x5b: {  	_ =	shalt  }
0x5c: {  	_ =	shalt  }
0x5d: {  	_ =	shalt  }
0x5e: {  	_ =	shalt  }
0x5f: {  	_ =	shalt  }
0x60: {  	_ =	shalt  }
0x61: {  	_ =	shalt  }
0x62: {  	_ =	shalt  }
0x63: {  	_ =	shalt  }
0x64: {  	_ =	shalt  }
0x65: {  	_ =	shalt  }
0x66: {  	_ =	shalt  }
0x67: {  	_ =	shalt  }
0x68: {  	_ =	shalt  }
0x69: {  	_ =	shalt  }
0x6a: {  	_ =	shalt  }
0x6b: {  	_ =	shalt  }
0x6c: {  	_ =	shalt  }
0x6d: {  	_ =	shalt  }
0x6e: {  	_ =	shalt  }
0x6f: {  	_ =	shalt  }
0x70: {  	_ =	shalt  }
0x71: {  	_ =	shalt  }
0x72: {  	_ =	shalt  }
0x73: {  	_ =	shalt  }
0x74: {  	_ =	shalt  }
0x75: {  	_ =	shalt  }
0x76: {  	_ =	shalt  }
0x77: {  	_ =	shalt  }
0x78: {  	_ =	shalt  }
0x79: {  	_ =	shalt  }
0x7a: {  	_ =	shalt  }
0x7b: {  	_ =	shalt  }
0x7c: {  	_ =	shalt  }
0x7d: {  	_ =	shalt  }
0x7e: {  	_ =	shalt  }
0x7f: {  	_ =	shalt  }
0x80: {  	_ =	shalt  }
0x81: {  	_ =	shalt  }
0x82: {  	_ =	shalt  }
0x83: {  	_ =	shalt  }
0x84: {  	_ =	shalt  }
0x85: {  	_ =	shalt  }
0x86: {  	_ =	shalt  }
0x87: {  	_ =	shalt  }
.Lfunc_end0:
.L_simem_size_0:
called_computation_lowered:
.L_overlay_start_0:
0x88: {  	s2 =	sld [smem:$0x3FD9]  }
0x89: {  	s3 =	sld [smem:$0x3FFE];
	_ =	sdelay $0x1  }
0x8a: {  	s1 =	srdreg.scid  }
0x8b: {  	s0 =	sand.u32 $0x1, s1  }
0x8c: {  	s17 =	sshll.u32 s0, $0xA;
	s2 =	sadd.s32 s3, s2  }
0x8d: {  	s2 =	sadd.s32 s2, s17  }
0x8e: {  	[smem:$0x3FC3] =	sst s2  }
0x8f: {  	_ = 	snop  }
0x90: {  	s2 =	sld [smem:$0x3FC8]  }
0x91: {  	s18 =	sld [smem:$0x3FC7]  }
0x92: {  	s4 =	sld [smem:$0x3FC6]  }
0x93: {  	s5 =	sld [smem:$0x3FC5]  }
0x94: {  	s6 =	sld [smem:$0x3FD0];
	(tm) =	ssettm $0x1  }
0x95: {  	s7 =	sld [smem:$0x3FFB];
	_ =	sdelay $0x3  }
0x96: {  	_ =	strace s7  }
0x97: {  	s7 =	sld [smem:$0x3FFC];
	_ =	sdelay $0x3  }
0x98: {  	_ =	strace s7  }
0x99: {  	s7 =	sld [smem:$0x3FFD];
	_ =	sdelay $0x3  }
0x9a: {  	_ =	strace s7  }
0x9b: {  	_ =	strace $0x8FFFFFFF  }
0x9c: {  	s19 =	sld [smem:$0x3FDB];
	_ =	sdelay $0x1  }
0x9d: {  	s8 =	simm.s32 $_scs_section_size  }
0x9e: {  	s9 =	simm.s32 $_size__tile_overlayer_lowered;
	s10 =	simm.s32 $_tile_overlayer_lowered  }
0x9f: {  	s22 =	simm.s32 $0x1BFF;
	s21 =	sshll.u32 s10, $0x1;
	s7 =	sadd.s32 s8, s19  }
0xa0: {  	s11 =	simm.s32 $0x0;
	s20 =	sshll.u32 s9, $0x1;
	s9 =	sadd.s32 s21, s7  }
0xa1: {  	[timem:s11], [sflag:s22] =	dma.local [hbm:s9], s20  }
0xa2: {  	_ =	swait.ge [sflag:s22], s20  }
0xa3: {  	s8 =	ssub.s32 $0x0, s20;
	[sflag:s22] =	ssyncset.done $0x0  }
0xa4: {  	[sflag:s22] =	ssyncadd.s32 s8;
	_ =	sdelay $0x1  }
0xa5: {  	s23 =	simm.s32 $0x1B8B  }
0xa6: {  	_ =	swait.ge [sflag:s23], $0x1  }
0xa7: {  	[sflag:s23] =	ssyncset.done $0x0  }
0xa8: {  	s25 =	simm.s32 $0x1B8E;
	s24 =	sld [smem:$0x3FFE];
	[sflag:s23] =	ssyncadd.s32 $0xFFFFFFFF  }
0xa9: {  	s26 =	simm.s32 $execute0_lowered;
	[smem:$0x3FD2] =	sst s25  }
0xaa: {  	s9 =	sshll.u32 s26, $0x1;
	_ =	strace $0x80000046;
	[dreg:$0x1] =	wrdreg $0xFFFFFFFF  }
0xab: {  	s28 =	simm.s32 $_size_execute0_lowered;
	s7 =	sadd.s32 s7, s9;
	[dreg:$0x0] =	wrdreg $0x0  }
0xac: {  	s9 =	sshll.u32 s28, $0x1;
	[dreg:$0x2] =	wrdreg s7  }
0xad: {  	[dreg:$0x3] =	wrdreg s9  }
0xae: {  	[dreg:$0x4] =	wrdreg $0xC0  }
0xaf: {  	_ =	task [dreg:s11], $0x5FFFF  }
0xb0: {  	[dreg:$0x1] =	wrdreg $0xFFFFFFFF  }
0xb1: {  	[dreg:$0x0] =	wrdreg $0x60  }
0xb2: {  	[dreg:$0x2] =	wrdreg s2  }
0xb3: {  	[dreg:$0x3] =	wrdreg s24  }
0xb4: {  	[dreg:$0x4] =	wrdreg s18  }
0xb5: {  	[dreg:$0x5] =	wrdreg s4  }
0xb6: {  	[dreg:$0x6] =	wrdreg s5  }
0xb7: {  	[dreg:$0x7] =	wrdreg s6  }
0xb8: {  	[dreg:$0x8] =	wrdreg $0x9  }
0xb9: {  	_ =	task.clear_ibuf [dreg:s11], $0x9FFFF;
	_ =	strace $0x90000046  }
0xba: {  	s29 =	simm.s32 $0x9;
	_ =	strace $0x80000048  }
0xbb: {  	_ =	swait.ge [sflag:s29], $0x1  }
0xbc: {  	[sflag:s29] =	ssyncadd.s32 $0xFFFFFFFF  }
0xbd: {  	_ =	strace $0x90000048  }
0xbe: {  	_ =	sfence  }
0xbf: {  	s30 =	sld [smem:$0x0];
	_ =	sdelay $0x2  }
0xc0: {  	s31 =	sshll.u32 s1, $0xD;
	s1 =	sshrl.u32 s1, $0x2  }
0xc1: {  	s3 =	sand.u32 $0x4000, s31;
	s1 =	sadd.s32 s1, s30  }
0xc2: {  	s0 =	sor.u32 s3, s0;
	s1 =	sshll.u32 s1, $0x11  }
0xc3: {  	s0 =	sor.u32 s1, s0  }
0xc4: {  	s0 =	sadd.s32 $0x8F2B, s0  }
0xc5: {  	[sflag:s0] =	ssyncadd.remote.s32 $0x1  }
0xc6: {  	_ =	sfence.sel $0xFFFF  }
0xc7: {  	[dreg:$0x0] =	wrdreg $0xFFFFFFFF;
	(pc) =	sbr.abs _section_cstart, $3  }
0xc8: {  	[dreg:$0x1] =	wrdreg $0xFFFFFFFF  }
0xc9: {  	_ =	task.clear_ibuf [dreg:s11], $0x2FFFF;
	_ =	strace $0x9FFFFFFF  }
0xca: {  	(tm) =	ssettm $0x7FFFFFFF  }
0xcb: {  	_ =	shalt  }
tec
execute0_lowered:
.L_overlay_start_1:
0x0: {  	(tag) =	ssettag $0x1  }
0x1: {  	s0 =	rddreg [dreg:$0x0]  }
0x2: {  	s8 =	rddreg [dreg:$0x1]  }
0x3: {  	s9 =	rddreg [dreg:$0x2]  }
0x4: {  	s3 =	srdreg.scid;
	s2 =	rddreg [dreg:$0x3]  }
0x5: {  	s1 =	stileid.u32;
	s4 =	rddreg [dreg:$0x4]  }
0x6: {  	s5 =	rddreg [dreg:$0x5];
	s7 =	simm.s32 $0x0;
	s13 =	simm.s32 $0x2  }
0x7: {  	s14 =	simm.s32 $0x3000;
	s15 =	simm.s32 $0x3300;
	s16 =	simm.s32 $0x3600  }
0x8: {  	s17 =	simm.s32 $0x3680;
	s18 =	simm.s32 $0x3E80;
	s19 =	simm.s32 $0x4680  }
0x9: {  	s20 =	simm.s32 $0x4E80;
	s21 =	simm.s32 $0x5680;
	s10 =	sand.u32 $0x1, s3  }
0xa: {  	s22 =	simm.s32 $0x5E80;
	s31 =	sshll.u32 s1, $0x5;
	s6 =	sshll.u32 s10, $0x4  }
0xb: {  	s23 =	simm.s32 $0x1;
	s24 =	simm.s32 $0x0;
	s6 =	sor.u32 s6, s31  }
0xc: {  	[smem:$0x7FF] =	sst s7;
	s10 =	ssub.s32 $0x2, s10;
	s11 =	sshrl.u32 s6, $0x3  }
0xd: {  	v2 =	vlaneseq.u32;
	s8 =	sadd.s32 $0x400, s8;
	s12 =	sshrl.u32 s10, $0x1;
	s11 =	smul.u32 $0x300, s11  }
0xe: {  	vm0 =	vmmov $0xffff;
	v1 =	vshrl.u32 v2, $0x3;
	_ =	strace $0x80000047;
	s12 =	ssub.s32 s10, s12;
	s10 =	sadd.s32 $0x100, s0  }
0xf: {  	v0 =	vand.u32 $0x7, v2;
	v2 =	vor.u32 $0x8, v2;
	v1 =	vmul.u32 $0x8, v1;
	s12 =	smax.u32 s12, $0x1;
	s9 =	sadd.s32 s9, s11;
	s11 =	sadd.s32 $0x200, s0  }
.LBB2_1:
0x10: {  	[tilespmem:s7], [sflag:$0x2] =	stream.linear.gather [hbm4b:s9+s7], $0x3000, $0x38;
	[tilespmem:$0x6680] =	vst v63  }
0x11: {  	_ =	swait.ge [sflag:s13], $0x3000  }
0x12: {  	[sflag:s13] =	ssyncset.done $0x0  }
0x13: {  	[sflag:s13] =	ssyncadd.s32 $0xFFFFD000  }
0x14: {  	[tilespmem:s14], [sflag:$0x2] =	stream.linear.gather [hbm4b:s2+s7], $0x300, $0x38;
	[tilespmem:$0x6680] =	vst v63  }
0x15: {  	_ =	swait.ge [sflag:s13], $0x300  }
0x16: {  	[sflag:s13] =	ssyncset.done $0x0  }
0x17: {  	[sflag:s13] =	ssyncadd.s32 $0xFFFFFD00  }
0x18: {  	[tilespmem:s15], [sflag:$0x2] =	stream.linear.gather [hbm4b:s4+s7], $0x300, $0x38;
	[tilespmem:$0x6680] =	vst v63  }
0x19: {  	_ =	swait.ge [sflag:s13], $0x300  }
0x1a: {  	[sflag:s13] =	ssyncset.done $0x0  }
0x1b: {  	s25 =	simm.s32 $0x0;
	[sflag:s13] =	ssyncadd.s32 $0xFFFFFD00  }
.LBB2_2:
0x1c: {  	s26 =	sshll.u32 s25, $0x9  }
0x1d: {  	s26 =	sor.u32 s6, s26  }
0x1e: {  	s26 =	sshrl.u32 s26, $0x3  }
0x1f: {  	s28 =	simm.s32 $0x0;
	s29 =	sadd.s32 s8, s26  }
0x20: {  	[tilespmem:s16], [sflag:$0x2] =	stream.linear.gather [hbm4b:s29+s28], $0x10, $0x38;
	[tilespmem:$0x6680] =	vst v63  }
0x21: {  	_ =	swait.ge [sflag:s13], $0x10  }
0x22: {  	[sflag:s13] =	ssyncset.done $0x0  }
0x23: {  	[sflag:s13] =	ssyncadd.s32 $0xFFFFFFF0  }
0x24: {  	v3 =	vld [tilespmem:$0x3600];
	_ =	sdelay $0x4  }
0x25: {  	v4 =	vshrl.u32 v3, $0x3  }
0x26: {  	v4 =	vmul.u32 $0x30, v4  }
0x27: {  	v3 =	vand.u32 $0x7, v3  }
0x28: {  	v3 =	vor.u32 v3, v4  }
0x29: {  	v4 =	vperm.xlane v3, v0;
	_ =	sdelay $0x1  }
0x2a: {  	v4 =	vadd.s32 v1, v4;
	_ =	sdelay $0x3  }
0x2b: {  	v3 =	vperm.xlane v3, v2  }
0x2c: {  	[tilespmem:s17], [sflag:$0x1] =	stream.indirect_vreg.gather [hbm4b:s0+s28], $0x80, v4, vm0, $0xb8;
	[tilespmem:$0x6680] =	vst v63  }
0x2d: {  	v3 =	vadd.s32 v1, v3  }
0x2e: {  	[tilespmem:s18], [sflag:$0x1] =	stream.indirect_vreg.gather [hbm4b:s10+s28], $0x80, v4, vm0, $0xb8;
	[tilespmem:$0x6680] =	vst v63  }
0x2f: {  	_ = 	snop  }
0x30: {  	[tilespmem:s19], [sflag:$0x1] =	stream.indirect_vreg.gather [hbm4b:s11+s28], $0x80, v4, vm0, $0xb8;
	[tilespmem:$0x6680] =	vst v63  }
0x31: {  	_ = 	snop  }
0x32: {  	[tilespmem:s20], [sflag:$0x1] =	stream.indirect_vreg.gather [hbm4b:s0+s28], $0x80, v3, vm0, $0xb8;
	[tilespmem:$0x6680] =	vst v63  }
0x33: {  	_ = 	snop  }
0x34: {  	[tilespmem:s21], [sflag:$0x1] =	stream.indirect_vreg.gather [hbm4b:s10+s28], $0x80, v3, vm0, $0xb8;
	[tilespmem:$0x6680] =	vst v63  }
0x35: {  	_ = 	snop  }
0x36: {  	[tilespmem:s22], [sflag:$0x1] =	stream.indirect_vreg.gather [hbm4b:s11+s28], $0x80, v3, vm0, $0xb8;
	[tilespmem:$0x6680] =	vst v63  }
0x37: {  	_ =	swait.ge [sflag:s23], $0x3000  }
0x38: {  	[sflag:s23] =	ssyncset.done $0x0  }
0x39: {  	s29 =	simm.s32 $0x0;
	[sflag:s23] =	ssyncadd.s32 $0xFFFFD000  }
.LBB2_3:
0x3a: {  	s30 =	sshrl.u32 s29, $0x3  }
0x3b: {  	s30 =	smul.u32 $0x1800, s30  }
0x3c: {  	s31 =	sand.u32 $0x380, s28  }
0x3d: {  	s30 =	sor.u32 s31, s30  }
0x3e: {  	v3 =	vld [tilespmem:s30+$0x3680]  }
0x3f: {  	v4 =	vld [tilespmem:s30+$0x0]  }
0x40: {  	v5 =	vld [tilespmem:s30+$0x3690]  }
0x41: {  	v6 =	vld [tilespmem:s30+$0x10]  }
0x42: {  	v7 =	vld [tilespmem:s30+$0x36A0]  }
0x43: {  	v8 =	vld [tilespmem:s30+$0x20]  }
0x44: {  	v9 =	vld [tilespmem:s30+$0x36B0]  }
0x45: {  	v10 =	vld [tilespmem:s30+$0x30];
	v4 =	vadd.f32 v4, v3  }
0x46: {  	v11 =	vld [tilespmem:s30+$0x36C0];
	v3 =	vadd.f32 v6, v5  }
0x47: {  	v12 =	vld [tilespmem:s30+$0x40];
	v48 =	vadd.f32 $0.0e+00, v4  }
0x48: {  	v49 =	vld [tilespmem:s30+$0x36D0];
	v5 =	vadd.f32 v8, v7;
	v13 =	vmul.f32 v4, v4;
	v14 =	vmul.f32 v3, v3  }
0x49: {  	v15 =	vld [tilespmem:s30+$0x50];
	v50 =	vadd.f32 v3, v48  }
0x4a: {  	v52 =	vld [tilespmem:s30+$0x36E0];
	v6 =	vadd.f32 v10, v9;
	v51 =	vmul.f32 v5, v5;
	v13 =	vadd.f32 v14, v13  }
0x4b: {  	v16 =	vld [tilespmem:s30+$0x60];
	v53 =	vadd.f32 v5, v50  }
0x4c: {  	v55 =	vld [tilespmem:s30+$0x36F0];
	v7 =	vadd.f32 v12, v11;
	v54 =	vmul.f32 v6, v6;
	v13 =	vadd.f32 v51, v13  }
0x4d: {  	v56 =	vld [tilespmem:s30+$0x70];
	v10 =	vadd.f32 v6, v53  }
0x4e: {  	v58 =	vld [tilespmem:s30+$0x3A80];
	v8 =	vadd.f32 v15, v49;
	v57 =	vmul.f32 v7, v7;
	v13 =	vadd.f32 v54, v13  }
0x4f: {  	v17 =	vld [tilespmem:s30+$0x400];
	v10 =	vadd.f32 v7, v10  }
0x50: {  	v60 =	vld [tilespmem:s30+$0x3A90];
	v9 =	vadd.f32 v16, v52;
	v59 =	vmul.f32 v8, v8;
	v13 =	vadd.f32 v57, v13  }
0x51: {  	v19 =	vld [tilespmem:s30+$0x410];
	v18 =	vadd.f32 v8, v10  }
0x52: {  	v20 =	vld [tilespmem:s30+$0x3AA0];
	v61 =	vmul.f32 v9, v9;
	v13 =	vadd.f32 v59, v13;
	v10 =	vadd.f32 v56, v55  }
0x53: {  	v63 =	vld [tilespmem:s30+$0x420];
	v62 =	vadd.f32 v9, v18  }
0x54: {  	v25 =	vld [tilespmem:s30+$0x3AB0];
	v11 =	vadd.f32 v17, v58;
	v13 =	vadd.f32 v61, v13;
	v24 =	vmul.f32 v10, v10  }
0x55: {  	v21 =	vld [tilespmem:s30+$0x430];
	v26 =	vadd.f32 v10, v62  }
0x56: {  	v28 =	vld [tilespmem:s30+$0x3AC0];
	v12 =	vadd.f32 v19, v60;
	v27 =	vmul.f32 v11, v11;
	v13 =	vadd.f32 v24, v13  }
0x57: {  	v29 =	vld [tilespmem:s30+$0x440];
	v17 =	vadd.f32 v11, v26  }
0x58: {  	v30 =	vld [tilespmem:s30+$0x3AD0];
	v22 =	vmul.f32 v12, v12;
	v14 =	vadd.f32 v27, v13;
	v13 =	vadd.f32 v63, v20  }
0x59: {  	v31 =	vld [tilespmem:s30+$0x450];
	v17 =	vadd.f32 v12, v17  }
0x5a: {  	v32 =	vld [tilespmem:s30+$0x3AE0];
	v22 =	vadd.f32 v22, v14;
	v23 =	vmul.f32 v13, v13;
	v14 =	vadd.f32 v21, v25  }
0x5b: {  	v24 =	vld [tilespmem:s30+$0x460];
	v17 =	vadd.f32 v13, v17  }
0x5c: {  	v34 =	vld [tilespmem:s30+$0x3AF0];
	v15 =	vadd.f32 v29, v28;
	v22 =	vadd.f32 v23, v22;
	v33 =	vmul.f32 v14, v14  }
0x5d: {  	v25 =	vld [tilespmem:s30+$0x470];
	v17 =	vadd.f32 v14, v17  }
0x5e: {  	v36 =	vld [tilespmem:s30+$0x3E80];
	v16 =	vadd.f32 v31, v30;
	v35 =	vmul.f32 v15, v15;
	v22 =	vadd.f32 v33, v22  }
0x5f: {  	v26 =	vld [tilespmem:s30+$0x800];
	v37 =	vadd.f32 v15, v17  }
0x60: {  	v39 =	vld [tilespmem:s30+$0x3E90];
	v38 =	vmul.f32 v16, v16;
	v22 =	vadd.f32 v35, v22;
	v17 =	vadd.f32 v24, v32  }
0x61: {  	v27 =	vld [tilespmem:s30+$0x810];
	v40 =	vadd.f32 v16, v37  }
0x62: {  	v42 =	vld [tilespmem:s30+$0x3EA0];
	v18 =	vadd.f32 v25, v34;
	v22 =	vadd.f32 v38, v22;
	v41 =	vmul.f32 v17, v17  }
0x63: {  	v28 =	vld [tilespmem:s30+$0x820];
	v24 =	vadd.f32 v17, v40  }
0x64: {  	v44 =	vld [tilespmem:s30+$0x3EB0];
	v19 =	vadd.f32 v26, v36;
	v43 =	vmul.f32 v18, v18;
	v22 =	vadd.f32 v41, v22  }
0x65: {  	v29 =	vld [tilespmem:s30+$0x830];
	v24 =	vadd.f32 v18, v24  }
0x66: {  	v46 =	vld [tilespmem:s30+$0x3EC0];
	v20 =	vadd.f32 v27, v39;
	v45 =	vmul.f32 v19, v19;
	v22 =	vadd.f32 v43, v22  }
0x67: {  	v30 =	vld [tilespmem:s30+$0x840];
	v24 =	vadd.f32 v19, v24  }
0x68: {  	v49 =	vld [tilespmem:s30+$0x850];
	v21 =	vadd.f32 v28, v42;
	v47 =	vmul.f32 v20, v20;
	v22 =	vadd.f32 v45, v22  }
0x69: {  	v48 =	vld [tilespmem:s30+$0x3ED0];
	v24 =	vadd.f32 v20, v24  }
0x6a: {  	v50 =	vld [tilespmem:s30+$0x3EE0];
	v31 =	vmul.f32 v21, v21;
	v23 =	vadd.f32 v47, v22;
	v22 =	vadd.f32 v29, v44  }
0x6b: {  	v51 =	vld [tilespmem:s30+$0x860];
	v24 =	vadd.f32 v21, v24  }
0x6c: {  	v52 =	vld [tilespmem:s30+$0x3EF0];
	v31 =	vadd.f32 v31, v23;
	v32 =	vmul.f32 v22, v22;
	v23 =	vadd.f32 v30, v46  }
0x6d: {  	v33 =	vld [tilespmem:s30+$0x870];
	v53 =	vadd.f32 v22, v24  }
0x6e: {  	v55 =	vld [tilespmem:s30+$0x4280];
	v31 =	vadd.f32 v32, v31;
	v54 =	vmul.f32 v23, v23;
	v24 =	vadd.f32 v49, v48  }
0x6f: {  	v34 =	vld [tilespmem:s30+$0xC00];
	v30 =	vadd.f32 v23, v53  }
0x70: {  	v57 =	vld [tilespmem:s30+$0x4290];
	v25 =	vadd.f32 v51, v50;
	v31 =	vadd.f32 v54, v31;
	v56 =	vmul.f32 v24, v24  }
0x71: {  	v35 =	vld [tilespmem:s30+$0xC10];
	v30 =	vadd.f32 v24, v30  }
0x72: {  	v59 =	vld [tilespmem:s30+$0x42A0];
	v58 =	vmul.f32 v25, v25;
	v26 =	vadd.f32 v33, v52;
	v31 =	vadd.f32 v56, v31  }
0x73: {  	v36 =	vld [tilespmem:s30+$0xC20];
	v30 =	vadd.f32 v25, v30  }
0x74: {  	v61 =	vld [tilespmem:s30+$0x42B0];
	v27 =	vadd.f32 v34, v55;
	v60 =	vmul.f32 v26, v26;
	v31 =	vadd.f32 v58, v31  }
0x75: {  	v37 =	vld [tilespmem:s30+$0xC30];
	v30 =	vadd.f32 v26, v30  }
0x76: {  	v63 =	vld [tilespmem:s30+$0x42C0];
	v28 =	vadd.f32 v35, v57;
	v62 =	vmul.f32 v27, v27;
	v31 =	vadd.f32 v60, v31  }
0x77: {  	v38 =	vld [tilespmem:s30+$0xC40];
	v30 =	vadd.f32 v27, v30  }
0x78: {  	v39 =	vld [tilespmem:s30+$0xC50];
	v44 =	vmul.f32 v28, v28;
	v29 =	vadd.f32 v36, v59;
	v31 =	vadd.f32 v62, v31  }
0x79: {  	v45 =	vld [tilespmem:s30+$0x42D0];
	v46 =	vadd.f32 v28, v30  }
0x7a: {  	v47 =	vmul.f32 v29, v29;
	v48 =	vld [tilespmem:s30+$0x42E0];
	v31 =	vadd.f32 v44, v31;
	v30 =	vadd.f32 v37, v61  }
0x7b: {  	v49 =	vld [tilespmem:s30+$0xC60];
	v36 =	vadd.f32 v29, v46  }
0x7c: {  	v50 =	vld [tilespmem:s30+$0x42F0];
	v32 =	vadd.f32 v47, v31;
	v40 =	vmul.f32 v30, v30;
	v31 =	vadd.f32 v38, v63  }
0x7d: {  	v51 =	vld [tilespmem:s30+$0xC70];
	v36 =	vadd.f32 v30, v36  }
0x7e: {  	v42 =	vld [tilespmem:s30+$0x1000];
	v40 =	vadd.f32 v40, v32;
	v41 =	vmul.f32 v31, v31;
	v32 =	vadd.f32 v39, v45  }
0x7f: {  	v52 =	vld [tilespmem:s30+$0x4680];
	v36 =	vadd.f32 v31, v36  }
0x80: {  	v43 =	vld [tilespmem:s30+$0x1010];
	v33 =	vadd.f32 v49, v48;
	v40 =	vadd.f32 v41, v40;
	v53 =	vmul.f32 v32, v32  }
0x81: {  	v54 =	vld [tilespmem:s30+$0x4690];
	v36 =	vadd.f32 v32, v36  }
0x82: {  	v34 =	vadd.f32 v51, v50;
	v56 =	vld [tilespmem:s30+$0x46A0];
	v55 =	vmul.f32 v33, v33;
	v40 =	vadd.f32 v53, v40  }
0x83: {  	v44 =	vld [tilespmem:s30+$0x1020];
	v36 =	vadd.f32 v33, v36  }
0x84: {  	v57 =	vmul.f32 v34, v34;
	v35 =	vadd.f32 v42, v52;
	v58 =	vld [tilespmem:s30+$0x46B0];
	v40 =	vadd.f32 v55, v40  }
0x85: {  	v45 =	vld [tilespmem:s30+$0x1030];
	v59 =	vadd.f32 v34, v36  }
0x86: {  	v60 =	vmul.f32 v35, v35;
	v61 =	vld [tilespmem:s30+$0x46C0];
	v40 =	vadd.f32 v57, v40;
	v36 =	vadd.f32 v43, v54  }
0x87: {  	v46 =	vld [tilespmem:s30+$0x1040];
	v42 =	vadd.f32 v35, v59  }
0x88: {  	v63 =	vld [tilespmem:s30+$0x46D0];
	v37 =	vadd.f32 v44, v56;
	v40 =	vadd.f32 v60, v40;
	v62 =	vmul.f32 v36, v36  }
0x89: {  	v47 =	vld [tilespmem:s30+$0x1050];
	v42 =	vadd.f32 v36, v42  }
0x8a: {  	v52 =	vld [tilespmem:s30+$0x46E0];
	v51 =	vmul.f32 v37, v37;
	v38 =	vadd.f32 v45, v58;
	v40 =	vadd.f32 v62, v40  }
0x8b: {  	v53 =	vld [tilespmem:s30+$0x1060];
	v42 =	vadd.f32 v37, v42  }
0x8c: {  	v48 =	vld [tilespmem:s30+$0x1070];
	v54 =	vmul.f32 v38, v38;
	v43 =	vadd.f32 v46, v61;
	v40 =	vadd.f32 v51, v40  }
0x8d: {  	v55 =	vld [tilespmem:s30+$0x46F0];
	v42 =	vadd.f32 v38, v42  }
0x8e: {  	v49 =	vld [tilespmem:s30+$0x1400];
	v44 =	vadd.f32 v47, v63;
	v56 =	vmul.f32 v43, v43;
	v40 =	vadd.f32 v54, v40  }
0x8f: {  	v57 =	vld [tilespmem:s30+$0x4A80];
	v42 =	vadd.f32 v43, v42  }
0x90: {  	v50 =	vld [tilespmem:s30+$0x1410];
	v58 =	vmul.f32 v44, v44;
	v39 =	vadd.f32 v53, v52;
	v40 =	vadd.f32 v56, v40  }
0x91: {  	v59 =	vld [tilespmem:s30+$0x4A90];
	v42 =	vadd.f32 v44, v42  }
0x92: {  	v61 =	vld [tilespmem:s30+$0x4AA0];
	v60 =	vmul.f32 v39, v39;
	v46 =	vadd.f32 v48, v55;
	v40 =	vadd.f32 v58, v40  }
0x93: {  	v51 =	vld [tilespmem:s30+$0x1420];
	v42 =	vadd.f32 v39, v42  }
0x94: {  	v63 =	vld [tilespmem:s30+$0x4AB0];
	v62 =	vmul.f32 v46, v46;
	v47 =	vadd.f32 v49, v57;
	v40 =	vadd.f32 v60, v40  }
0x95: {  	v52 =	vld [tilespmem:s30+$0x1430];
	v42 =	vadd.f32 v46, v42  }
0x96: {  	v53 =	vld [tilespmem:s30+$0x1440];
	v57 =	vmul.f32 v47, v47;
	v45 =	vadd.f32 v50, v59;
	v40 =	vadd.f32 v62, v40  }
0x97: {  	v58 =	vld [tilespmem:s30+$0x4AC0];
	v42 =	vadd.f32 v47, v42  }
0x98: {  	v54 =	vld [tilespmem:s30+$0x1450];
	v59 =	vmul.f32 v45, v45;
	v48 =	vadd.f32 v51, v61;
	v40 =	vadd.f32 v57, v40  }
0x99: {  	v51 =	vld [tilespmem:s30+$0x4AD0];
	v42 =	vadd.f32 v45, v42  }
0x9a: {  	v55 =	vld [tilespmem:s30+$0x1460];
	v49 =	vadd.f32 v52, v63;
	v60 =	vmul.f32 v48, v48;
	v40 =	vadd.f32 v59, v40  }
0x9b: {  	v61 =	vld [tilespmem:s30+$0x4AE0];
	v42 =	vadd.f32 v48, v42  }
0x9c: {  	v63 =	vld [tilespmem:s30+$0x4AF0];
	v62 =	vmul.f32 v49, v49;
	v50 =	vadd.f32 v53, v58;
	v40 =	vadd.f32 v60, v40  }
0x9d: {  	v56 =	vld [tilespmem:s30+$0x1470];
	v42 =	vadd.f32 v49, v42  }
0x9e: {  	v41 =	vadd.f32 v54, v51;
	v54 =	vmul.f32 v50, v50;
	v40 =	vadd.f32 v62, v40  }
0x9f: {  	v42 =	vadd.f32 v50, v42  }
0xa0: {  	v57 =	vadd.f32 v55, v61;
	v58 =	vmul.f32 v41, v41;
	v40 =	vadd.f32 v54, v40  }
0xa1: {  	v42 =	vadd.f32 v41, v42  }
0xa2: {  	v59 =	vadd.f32 v56, v63;
	v60 =	vmul.f32 v57, v57;
	v40 =	vadd.f32 v58, v40  }
0xa3: {  	v42 =	vadd.f32 v57, v42  }
0xa4: {  	v61 =	vmul.f32 v59, v59;
	v40 =	vadd.f32 v60, v40  }
0xa5: {  	v42 =	vadd.f32 v59, v42  }
0xa6: {  	v40 =	vadd.f32 v61, v40  }
0xa7: {  	(xrf2) =	vadd.scan.msk.f32 $0xffff, v42  }
0xa8: {  	(xrf2) =	vadd.scan.msk.f32 $0xffff, v40;
	_ =	sdelay $0x8  }
0xa9: {  	v62, _, _ =	vpop (xrf2)  }
0xaa: {  	[tilespmem:s30+$0x3680] =	vst v4;
	(v2sf) =	vpush v62, $0xF;
	v63, _, _ =	vpop (xrf2)  }
0xab: {  	[tilespmem:s30+$0x3690] =	vst v3;
	(v2sf) =	vpush v63, $0xF  }
0xac: {  	[tilespmem:s30+$0x36A0] =	vst v5  }
0xad: {  	[tilespmem:s30+$0x36B0] =	vst v6  }
0xae: {  	[tilespmem:s30+$0x36C0] =	vst v7  }
0xaf: {  	[tilespmem:s30+$0x36D0] =	vst v8  }
0xb0: {  	[tilespmem:s30+$0x36E0] =	vst v9  }
0xb1: {  	[tilespmem:s30+$0x3A80] =	vst v11  }
0xb2: {  	[tilespmem:s30+$0x3A90] =	vst v12  }
0xb3: {  	[tilespmem:s30+$0x3AC0] =	vst v15  }
0xb4: {  	[tilespmem:s30+$0x3AD0] =	vst v16  }
0xb5: {  	[tilespmem:s30+$0x36F0] =	vst v10  }
0xb6: {  	[tilespmem:s30+$0x3AA0] =	vst v13  }
0xb7: {  	[tilespmem:s30+$0x3AB0] =	vst v14  }
0xb8: {  	[tilespmem:s30+$0x3EA0] =	vst v21  }
0xb9: {  	[tilespmem:s30+$0x3E80] =	vst v19;
	s3 =	spop (v2sf)  }
0xba: {  	[tilespmem:s30+$0x3E90] =	vst v20;
	s31 =	smul.f32 $1.302083370e-03, s3;
	s3 =	spop (v2sf)  }
0xbb: {  	[tilespmem:s30+$0x3AF0] =	vst v18;
	s3 =	smul.f32 $1.302083370e-03, s3  }
0xbc: {  	[tilespmem:s30+$0x3EE0] =	vst v25;
	s1 =	smul.f32 s31, s31  }
0xbd: {  	[tilespmem:s30+$0x3AE0] =	vst v17  }
0xbe: {  	[tilespmem:s30+$0x3EF0] =	vst v26;
	s1 =	ssub.f32 s3, s1  }
0xbf: {  	[tilespmem:s30+$0x4280] =	vst v27  }
0xc0: {  	[tilespmem:s30+$0x42F0] =	vst v34;
	s1 =	sadd.f32 $9.999999960e-13, s1  }
0xc1: {  	[tilespmem:s30+$0x4290] =	vst v28  }
0xc2: {  	[tilespmem:s30+$0x4680] =	vst v35;
	v3 =	vmov s1  }
0xc3: {  	[tilespmem:s30+$0x3EB0] =	vst v22;
	v19 =	vshra.s32 v3, $0x1;
	v3 =	vmul.f32 $5.000000000e-01, v3  }
0xc4: {  	[tilespmem:s30+$0x42A0] =	vst v29;
	v4 =	vsub.s32 $0x5F3759DF, v19  }
0xc5: {  	[tilespmem:s30+$0x3EC0] =	vst v23;
	v20 =	vmul.f32 v4, v3  }
0xc6: {  	[tilespmem:s30+$0x3ED0] =	vst v24  }
0xc7: {  	[tilespmem:s30+$0x42E0] =	vst v33;
	v5 =	vmul.f32 v4, v20  }
0xc8: {  	[tilespmem:s30+$0x42B0] =	vst v30  }
0xc9: {  	[tilespmem:s30+$0x42C0] =	vst v31;
	v5 =	vsub.f32 $1.500000000e+00, v5  }
0xca: {  	[tilespmem:s30+$0x42D0] =	vst v32  }
0xcb: {  	[tilespmem:s30+$0x46A0] =	vst v37;
	v4 =	vmul.f32 v4, v5  }
0xcc: {  	[tilespmem:s30+$0x46D0] =	vst v44  }
0xcd: {  	[tilespmem:s30+$0x46B0] =	vst v38;
	v5 =	vmul.f32 v4, v3  }
0xce: {  	[tilespmem:s30+$0x4690] =	vst v36  }
0xcf: {  	[tilespmem:s30+$0x46C0] =	vst v43;
	v5 =	vmul.f32 v5, v4  }
0xd0: {  	[tilespmem:s30+$0x46E0] =	vst v39  }
0xd1: {  	[tilespmem:s30+$0x46F0] =	vst v46;
	v5 =	vsub.f32 $1.500000000e+00, v5  }
0xd2: {  	[tilespmem:s30+$0x4A80] =	vst v47  }
0xd3: {  	[tilespmem:s30+$0x4AB0] =	vst v49;
	v5 =	vmul.f32 v5, v4  }
0xd4: {  	[tilespmem:s30+$0x4A90] =	vst v45  }
0xd5: {  	[tilespmem:s30+$0x4AA0] =	vst v48;
	v3 =	vmul.f32 v5, v3  }
0xd6: {  	v21 =	vld [tilespmem:s30+$0x3680];
	[tilespmem:s30+$0x4AD0] =	vst v41  }
0xd7: {  	[tilespmem:s30+$0x4AC0] =	vst v50;
	v3 =	vmul.f32 v3, v5  }
0xd8: {  	[tilespmem:s30+$0x4AE0] =	vst v57  }
0xd9: {  	[tilespmem:s30+$0x4AF0] =	vst v59;
	v3 =	vsub.f32 $1.500000000e+00, v3  }
0xda: {  	v7 =	vld [tilespmem:$0x3000];
	v4 =	vmov s31  }
0xdb: {  	v22 =	vsub.f32 v21, v4;
	v3 =	vmul.f32 v3, v5  }
0xdc: {  	v23 =	vld [tilespmem:$0x3300]  }
0xdd: {  	v5 =	vmul.f32 v3, v22;
	_ =	sdelay $0x1  }
0xde: {  	v5 =	vmul.f32 v5, v7  }
0xdf: {  	v24 =	vld [tilespmem:s30+$0x3690]  }
0xe0: {  	v5 =	vadd.f32 v5, v23;
	_ =	sdelay $0x1  }
0xe1: {  	[tilespmem:s30+$0x3680] =	vst v5  }
0xe2: {  	v5 =	vld [tilespmem:$0x3010]  }
0xe3: {  	v25 =	vsub.f32 v24, v4  }
0xe4: {  	v26 =	vld [tilespmem:$0x3310]  }
0xe5: {  	v6 =	vmul.f32 v3, v25;
	_ =	sdelay $0x1  }
0xe6: {  	v5 =	vmul.f32 v6, v5  }
0xe7: {  	v27 =	vld [tilespmem:s30+$0x36A0]  }
0xe8: {  	v5 =	vadd.f32 v5, v26;
	_ =	sdelay $0x1  }
0xe9: {  	[tilespmem:s30+$0x3690] =	vst v5  }
0xea: {  	v5 =	vld [tilespmem:$0x3020]  }
0xeb: {  	v6 =	vsub.f32 v27, v4  }
0xec: {  	v28 =	vld [tilespmem:$0x3320]  }
0xed: {  	v6 =	vmul.f32 v3, v6;
	_ =	sdelay $0x1  }
0xee: {  	v5 =	vmul.f32 v6, v5  }
0xef: {  	v29 =	vld [tilespmem:s30+$0x36B0]  }
0xf0: {  	v5 =	vadd.f32 v5, v28;
	_ =	sdelay $0x1  }
0xf1: {  	[tilespmem:s30+$0x36A0] =	vst v5  }
0xf2: {  	v5 =	vld [tilespmem:$0x3030]  }
0xf3: {  	v6 =	vsub.f32 v29, v4  }
0xf4: {  	v30 =	vld [tilespmem:$0x3330]  }
0xf5: {  	v6 =	vmul.f32 v3, v6;
	_ =	sdelay $0x1  }
0xf6: {  	v5 =	vmul.f32 v6, v5  }
0xf7: {  	v31 =	vld [tilespmem:s30+$0x36C0]  }
0xf8: {  	v5 =	vadd.f32 v5, v30;
	_ =	sdelay $0x1  }
0xf9: {  	[tilespmem:s30+$0x36B0] =	vst v5  }
0xfa: {  	v5 =	vld [tilespmem:$0x3040]  }
0xfb: {  	v6 =	vsub.f32 v31, v4  }
0xfc: {  	v32 =	vld [tilespmem:$0x3340]  }
0xfd: {  	v6 =	vmul.f32 v3, v6;
	_ =	sdelay $0x1  }
0xfe: {  	v5 =	vmul.f32 v6, v5  }
0xff: {  	v33 =	vld [tilespmem:s30+$0x36D0]  }
0x100: {  	v5 =	vadd.f32 v5, v32;
	_ =	sdelay $0x1  }
0x101: {  	[tilespmem:s30+$0x36C0] =	vst v5  }
0x102: {  	v5 =	vld [tilespmem:$0x3050]  }
0x103: {  	v6 =	vsub.f32 v33, v4  }
0x104: {  	v34 =	vld [tilespmem:$0x3350]  }
0x105: {  	v6 =	vmul.f32 v3, v6;
	_ =	sdelay $0x1  }
0x106: {  	v5 =	vmul.f32 v6, v5  }
0x107: {  	v35 =	vld [tilespmem:s30+$0x36E0]  }
0x108: {  	v5 =	vadd.f32 v5, v34;
	_ =	sdelay $0x1  }
0x109: {  	[tilespmem:s30+$0x36D0] =	vst v5  }
0x10a: {  	v5 =	vld [tilespmem:$0x3060]  }
0x10b: {  	v6 =	vsub.f32 v35, v4  }
0x10c: {  	v36 =	vld [tilespmem:$0x3360]  }
0x10d: {  	v6 =	vmul.f32 v3, v6;
	_ =	sdelay $0x1  }
0x10e: {  	v5 =	vmul.f32 v6, v5  }
0x10f: {  	v37 =	vld [tilespmem:s30+$0x36F0]  }
0x110: {  	v5 =	vadd.f32 v5, v36;
	_ =	sdelay $0x1  }
0x111: {  	[tilespmem:s30+$0x36E0] =	vst v5  }
0x112: {  	v5 =	vld [tilespmem:$0x3070]  }
0x113: {  	v6 =	vsub.f32 v37, v4  }
0x114: {  	v38 =	vld [tilespmem:$0x3370]  }
0x115: {  	v6 =	vmul.f32 v6, v3;
	_ =	sdelay $0x1  }
0x116: {  	v5 =	vmul.f32 v6, v5  }
0x117: {  	v39 =	vld [tilespmem:s30+$0x3A80]  }
0x118: {  	v5 =	vadd.f32 v5, v38;
	_ =	sdelay $0x1  }
0x119: {  	[tilespmem:s30+$0x36F0] =	vst v5  }
0x11a: {  	v5 =	vld [tilespmem:$0x3080]  }
0x11b: {  	v6 =	vsub.f32 v39, v4  }
0x11c: {  	v40 =	vld [tilespmem:$0x3380]  }
0x11d: {  	v6 =	vmul.f32 v6, v3;
	_ =	sdelay $0x1  }
0x11e: {  	v5 =	vmul.f32 v6, v5  }
0x11f: {  	v41 =	vld [tilespmem:s30+$0x3A90]  }
0x120: {  	v5 =	vadd.f32 v5, v40;
	_ =	sdelay $0x1  }
0x121: {  	[tilespmem:s30+$0x3A80] =	vst v5  }
0x122: {  	v5 =	vld [tilespmem:$0x3090]  }
0x123: {  	v6 =	vsub.f32 v41, v4  }
0x124: {  	v42 =	vld [tilespmem:$0x3390]  }
0x125: {  	v6 =	vmul.f32 v6, v3;
	_ =	sdelay $0x1  }
0x126: {  	v5 =	vmul.f32 v6, v5  }
0x127: {  	v43 =	vld [tilespmem:s30+$0x3AA0]  }
0x128: {  	v5 =	vadd.f32 v5, v42;
	_ =	sdelay $0x1  }
0x129: {  	[tilespmem:s30+$0x3A90] =	vst v5  }
0x12a: {  	v5 =	vld [tilespmem:$0x30A0]  }
0x12b: {  	v6 =	vsub.f32 v43, v4  }
0x12c: {  	v44 =	vld [tilespmem:$0x33A0]  }
0x12d: {  	v6 =	vmul.f32 v6, v3;
	_ =	sdelay $0x1  }
0x12e: {  	v5 =	vmul.f32 v6, v5  }
0x12f: {  	v45 =	vld [tilespmem:s30+$0x3AB0]  }
0x130: {  	v5 =	vadd.f32 v5, v44;
	_ =	sdelay $0x1  }
0x131: {  	[tilespmem:s30+$0x3AA0] =	vst v5  }
0x132: {  	v5 =	vld [tilespmem:$0x30B0]  }
0x133: {  	v6 =	vsub.f32 v45, v4  }
0x134: {  	v46 =	vld [tilespmem:$0x33B0]  }
0x135: {  	v6 =	vmul.f32 v6, v3;
	_ =	sdelay $0x1  }
0x136: {  	v5 =	vmul.f32 v6, v5  }
0x137: {  	v47 =	vld [tilespmem:s30+$0x3AC0]  }
0x138: {  	v5 =	vadd.f32 v5, v46;
	_ =	sdelay $0x1  }
0x139: {  	[tilespmem:s30+$0x3AB0] =	vst v5  }
0x13a: {  	v5 =	vld [tilespmem:$0x30C0]  }
0x13b: {  	v6 =	vsub.f32 v47, v4  }
0x13c: {  	v48 =	vld [tilespmem:$0x33C0]  }
0x13d: {  	v6 =	vmul.f32 v6, v3;
	_ =	sdelay $0x1  }
0x13e: {  	v5 =	vmul.f32 v6, v5  }
0x13f: {  	v49 =	vld [tilespmem:s30+$0x3AD0]  }
0x140: {  	v5 =	vadd.f32 v5, v48;
	_ =	sdelay $0x1  }
0x141: {  	[tilespmem:s30+$0x3AC0] =	vst v5  }
0x142: {  	v5 =	vld [tilespmem:$0x30D0]  }
0x143: {  	v6 =	vsub.f32 v49, v4  }
0x144: {  	v50 =	vld [tilespmem:$0x33D0]  }
0x145: {  	v6 =	vmul.f32 v6, v3;
	_ =	sdelay $0x1  }
0x146: {  	v5 =	vmul.f32 v6, v5  }
0x147: {  	v51 =	vld [tilespmem:s30+$0x3AE0]  }
0x148: {  	v5 =	vadd.f32 v5, v50;
	_ =	sdelay $0x1  }
0x149: {  	[tilespmem:s30+$0x3AD0] =	vst v5  }
0x14a: {  	v5 =	vld [tilespmem:$0x30E0]  }
0x14b: {  	v6 =	vsub.f32 v51, v4  }
0x14c: {  	v52 =	vld [tilespmem:$0x33E0]  }
0x14d: {  	v6 =	vmul.f32 v6, v3;
	_ =	sdelay $0x1  }
0x14e: {  	v5 =	vmul.f32 v6, v5  }
0x14f: {  	v53 =	vld [tilespmem:s30+$0x3AF0]  }
0x150: {  	v5 =	vadd.f32 v5, v52;
	_ =	sdelay $0x1  }
0x151: {  	[tilespmem:s30+$0x3AE0] =	vst v5  }
0x152: {  	v5 =	vld [tilespmem:$0x30F0]  }
0x153: {  	v6 =	vsub.f32 v53, v4  }
0x154: {  	v54 =	vld [tilespmem:$0x33F0]  }
0x155: {  	v6 =	vmul.f32 v6, v3;
	_ =	sdelay $0x1  }
0x156: {  	v5 =	vmul.f32 v6, v5  }
0x157: {  	v55 =	vld [tilespmem:s30+$0x3E80]  }
0x158: {  	v5 =	vadd.f32 v5, v54;
	_ =	sdelay $0x1  }
0x159: {  	[tilespmem:s30+$0x3AF0] =	vst v5  }
0x15a: {  	v5 =	vld [tilespmem:$0x3100]  }
0x15b: {  	v6 =	vsub.f32 v55, v4  }
0x15c: {  	v56 =	vld [tilespmem:$0x3400]  }
0x15d: {  	v6 =	vmul.f32 v6, v3;
	_ =	sdelay $0x1  }
0x15e: {  	v5 =	vmul.f32 v6, v5  }
0x15f: {  	v57 =	vld [tilespmem:s30+$0x3E90]  }
0x160: {  	v5 =	vadd.f32 v5, v56;
	_ =	sdelay $0x1  }
0x161: {  	[tilespmem:s30+$0x3E80] =	vst v5  }
0x162: {  	v5 =	vld [tilespmem:$0x3110]  }
0x163: {  	v6 =	vsub.f32 v57, v4  }
0x164: {  	v58 =	vld [tilespmem:$0x3410]  }
0x165: {  	v6 =	vmul.f32 v6, v3;
	_ =	sdelay $0x1  }
0x166: {  	v5 =	vmul.f32 v6, v5  }
0x167: {  	v59 =	vld [tilespmem:s30+$0x3EA0]  }
0x168: {  	v5 =	vadd.f32 v5, v58;
	_ =	sdelay $0x1  }
0x169: {  	[tilespmem:s30+$0x3E90] =	vst v5  }
0x16a: {  	v5 =	vld [tilespmem:$0x3120]  }
0x16b: {  	v6 =	vsub.f32 v59, v4  }
0x16c: {  	v60 =	vld [tilespmem:$0x3420]  }
0x16d: {  	v6 =	vmul.f32 v6, v3;
	_ =	sdelay $0x1  }
0x16e: {  	v5 =	vmul.f32 v6, v5  }
0x16f: {  	v61 =	vld [tilespmem:s30+$0x3EB0]  }
0x170: {  	v5 =	vadd.f32 v5, v60;
	_ =	sdelay $0x1  }
0x171: {  	[tilespmem:s30+$0x3EA0] =	vst v5  }
0x172: {  	v5 =	vld [tilespmem:$0x3130]  }
0x173: {  	v6 =	vsub.f32 v61, v4  }
0x174: {  	v62 =	vld [tilespmem:$0x3430]  }
0x175: {  	v6 =	vmul.f32 v6, v3;
	_ =	sdelay $0x1  }
0x176: {  	v5 =	vmul.f32 v6, v5  }
0x177: {  	v63 =	vld [tilespmem:s30+$0x3EC0]  }
0x178: {  	v5 =	vadd.f32 v5, v62;
	_ =	sdelay $0x1  }
0x179: {  	[tilespmem:s30+$0x3EB0] =	vst v5  }
0x17a: {  	v5 =	vld [tilespmem:$0x3140]  }
0x17b: {  	v6 =	vsub.f32 v63, v4  }
0x17c: {  	v9 =	vld [tilespmem:$0x3440]  }
0x17d: {  	v6 =	vmul.f32 v6, v3;
	_ =	sdelay $0x1  }
0x17e: {  	v5 =	vmul.f32 v6, v5  }
0x17f: {  	v10 =	vld [tilespmem:s30+$0x3ED0]  }
0x180: {  	v5 =	vadd.f32 v5, v9;
	_ =	sdelay $0x1  }
0x181: {  	[tilespmem:s30+$0x3EC0] =	vst v5  }
0x182: {  	v5 =	vld [tilespmem:$0x3150]  }
0x183: {  	v6 =	vsub.f32 v10, v4  }
0x184: {  	v11 =	vld [tilespmem:$0x3450]  }
0x185: {  	v6 =	vmul.f32 v6, v3;
	_ =	sdelay $0x1  }
0x186: {  	v5 =	vmul.f32 v6, v5  }
0x187: {  	v12 =	vld [tilespmem:s30+$0x3EE0]  }
0x188: {  	v5 =	vadd.f32 v5, v11;
	_ =	sdelay $0x1  }
0x189: {  	[tilespmem:s30+$0x3ED0] =	vst v5  }
0x18a: {  	v5 =	vld [tilespmem:$0x3160]  }
0x18b: {  	v6 =	vsub.f32 v12, v4  }
0x18c: {  	v13 =	vld [tilespmem:$0x3460]  }
0x18d: {  	v6 =	vmul.f32 v6, v3;
	_ =	sdelay $0x1  }
0x18e: {  	v5 =	vmul.f32 v6, v5  }
0x18f: {  	v14 =	vld [tilespmem:s30+$0x3EF0]  }
0x190: {  	v5 =	vadd.f32 v5, v13;
	_ =	sdelay $0x1  }
0x191: {  	[tilespmem:s30+$0x3EE0] =	vst v5  }
0x192: {  	v5 =	vld [tilespmem:$0x3170]  }
0x193: {  	v6 =	vsub.f32 v14, v4  }
0x194: {  	v15 =	vld [tilespmem:$0x3470]  }
0x195: {  	v6 =	vmul.f32 v6, v3;
	_ =	sdelay $0x1  }
0x196: {  	v5 =	vmul.f32 v6, v5  }
0x197: {  	v16 =	vld [tilespmem:s30+$0x4280]  }
0x198: {  	v5 =	vadd.f32 v5, v15;
	_ =	sdelay $0x1  }
0x199: {  	[tilespmem:s30+$0x3EF0] =	vst v5  }
0x19a: {  	v5 =	vld [tilespmem:$0x3180]  }
0x19b: {  	v6 =	vsub.f32 v16, v4  }
0x19c: {  	v17 =	vld [tilespmem:$0x3480]  }
0x19d: {  	v6 =	vmul.f32 v6, v3;
	_ =	sdelay $0x1  }
0x19e: {  	v5 =	vmul.f32 v6, v5  }
0x19f: {  	v18 =	vld [tilespmem:s30+$0x4290]  }
0x1a0: {  	v5 =	vadd.f32 v5, v17;
	_ =	sdelay $0x1  }
0x1a1: {  	[tilespmem:s30+$0x4280] =	vst v5  }
0x1a2: {  	v5 =	vld [tilespmem:$0x3190]  }
0x1a3: {  	v6 =	vsub.f32 v18, v4  }
0x1a4: {  	v19 =	vld [tilespmem:$0x3490]  }
0x1a5: {  	v6 =	vmul.f32 v6, v3;
	_ =	sdelay $0x1  }
0x1a6: {  	v5 =	vmul.f32 v6, v5  }
0x1a7: {  	v20 =	vld [tilespmem:s30+$0x42A0]  }
0x1a8: {  	v5 =	vadd.f32 v5, v19;
	_ =	sdelay $0x1  }
0x1a9: {  	[tilespmem:s30+$0x4290] =	vst v5  }
0x1aa: {  	v5 =	vld [tilespmem:$0x31A0]  }
0x1ab: {  	v6 =	vsub.f32 v20, v4  }
0x1ac: {  	v21 =	vld [tilespmem:$0x34A0]  }
0x1ad: {  	v6 =	vmul.f32 v6, v3;
	_ =	sdelay $0x1  }
0x1ae: {  	v5 =	vmul.f32 v6, v5  }
0x1af: {  	v22 =	vld [tilespmem:s30+$0x42B0]  }
0x1b0: {  	v5 =	vadd.f32 v5, v21;
	_ =	sdelay $0x1  }
0x1b1: {  	[tilespmem:s30+$0x42A0] =	vst v5  }
0x1b2: {  	v5 =	vld [tilespmem:$0x31B0]  }
0x1b3: {  	v6 =	vsub.f32 v22, v4  }
0x1b4: {  	v23 =	vld [tilespmem:$0x34B0]  }
0x1b5: {  	v6 =	vmul.f32 v6, v3;
	_ =	sdelay $0x1  }
0x1b6: {  	v5 =	vmul.f32 v6, v5  }
0x1b7: {  	v24 =	vld [tilespmem:s30+$0x42C0]  }
0x1b8: {  	v5 =	vadd.f32 v5, v23;
	_ =	sdelay $0x1  }
0x1b9: {  	[tilespmem:s30+$0x42B0] =	vst v5  }
0x1ba: {  	v5 =	vld [tilespmem:$0x31C0]  }
0x1bb: {  	v6 =	vsub.f32 v24, v4  }
0x1bc: {  	v25 =	vld [tilespmem:$0x34C0]  }
0x1bd: {  	v6 =	vmul.f32 v6, v3;
	_ =	sdelay $0x1  }
0x1be: {  	v5 =	vmul.f32 v6, v5  }
0x1bf: {  	v26 =	vld [tilespmem:s30+$0x42D0]  }
0x1c0: {  	v5 =	vadd.f32 v5, v25;
	_ =	sdelay $0x1  }
0x1c1: {  	[tilespmem:s30+$0x42C0] =	vst v5  }
0x1c2: {  	v5 =	vld [tilespmem:$0x31D0]  }
0x1c3: {  	v6 =	vsub.f32 v26, v4  }
0x1c4: {  	v27 =	vld [tilespmem:$0x34D0]  }
0x1c5: {  	v6 =	vmul.f32 v6, v3;
	_ =	sdelay $0x1  }
0x1c6: {  	v5 =	vmul.f32 v6, v5  }
0x1c7: {  	v28 =	vld [tilespmem:s30+$0x42E0]  }
0x1c8: {  	v5 =	vadd.f32 v5, v27;
	_ =	sdelay $0x1  }
0x1c9: {  	[tilespmem:s30+$0x42D0] =	vst v5  }
0x1ca: {  	v5 =	vld [tilespmem:$0x31E0]  }
0x1cb: {  	v6 =	vsub.f32 v28, v4  }
0x1cc: {  	v29 =	vld [tilespmem:$0x34E0]  }
0x1cd: {  	v6 =	vmul.f32 v6, v3;
	_ =	sdelay $0x1  }
0x1ce: {  	v5 =	vmul.f32 v6, v5  }
0x1cf: {  	v30 =	vld [tilespmem:s30+$0x42F0]  }
0x1d0: {  	v5 =	vadd.f32 v5, v29;
	_ =	sdelay $0x1  }
0x1d1: {  	[tilespmem:s30+$0x42E0] =	vst v5  }
0x1d2: {  	v5 =	vld [tilespmem:$0x31F0]  }
0x1d3: {  	v6 =	vsub.f32 v30, v4  }
0x1d4: {  	v31 =	vld [tilespmem:$0x34F0]  }
0x1d5: {  	v6 =	vmul.f32 v6, v3;
	_ =	sdelay $0x1  }
0x1d6: {  	v5 =	vmul.f32 v6, v5  }
0x1d7: {  	v32 =	vld [tilespmem:s30+$0x4680]  }
0x1d8: {  	v5 =	vadd.f32 v5, v31;
	_ =	sdelay $0x1  }
0x1d9: {  	[tilespmem:s30+$0x42F0] =	vst v5  }
0x1da: {  	v5 =	vld [tilespmem:$0x3200]  }
0x1db: {  	v6 =	vsub.f32 v32, v4  }
0x1dc: {  	v33 =	vld [tilespmem:$0x3500]  }
0x1dd: {  	v6 =	vmul.f32 v6, v3;
	_ =	sdelay $0x1  }
0x1de: {  	v5 =	vmul.f32 v6, v5  }
0x1df: {  	v34 =	vld [tilespmem:s30+$0x4690]  }
0x1e0: {  	v5 =	vadd.f32 v5, v33;
	_ =	sdelay $0x1  }
0x1e1: {  	[tilespmem:s30+$0x4680] =	vst v5  }
0x1e2: {  	v5 =	vld [tilespmem:$0x3210]  }
0x1e3: {  	v6 =	vsub.f32 v34, v4  }
0x1e4: {  	v35 =	vld [tilespmem:$0x3510]  }
0x1e5: {  	v6 =	vmul.f32 v6, v3;
	_ =	sdelay $0x1  }
0x1e6: {  	v5 =	vmul.f32 v6, v5  }
0x1e7: {  	v36 =	vld [tilespmem:s30+$0x46A0]  }
0x1e8: {  	v5 =	vadd.f32 v5, v35;
	_ =	sdelay $0x1  }
0x1e9: {  	[tilespmem:s30+$0x4690] =	vst v5  }
0x1ea: {  	v5 =	vld [tilespmem:$0x3220]  }
0x1eb: {  	v6 =	vsub.f32 v36, v4  }
0x1ec: {  	v37 =	vld [tilespmem:$0x3520]  }
0x1ed: {  	v6 =	vmul.f32 v6, v3;
	_ =	sdelay $0x1  }
0x1ee: {  	v5 =	vmul.f32 v6, v5  }
0x1ef: {  	v38 =	vld [tilespmem:s30+$0x46B0]  }
0x1f0: {  	v5 =	vadd.f32 v5, v37;
	_ =	sdelay $0x1  }
0x1f1: {  	[tilespmem:s30+$0x46A0] =	vst v5  }
0x1f2: {  	v5 =	vld [tilespmem:$0x3230]  }
0x1f3: {  	v6 =	vsub.f32 v38, v4  }
0x1f4: {  	v39 =	vld [tilespmem:$0x3530]  }
0x1f5: {  	v6 =	vmul.f32 v6, v3;
	_ =	sdelay $0x1  }
0x1f6: {  	v5 =	vmul.f32 v6, v5  }
0x1f7: {  	v40 =	vld [tilespmem:s30+$0x46C0]  }
0x1f8: {  	v5 =	vadd.f32 v5, v39;
	_ =	sdelay $0x1  }
0x1f9: {  	[tilespmem:s30+$0x46B0] =	vst v5  }
0x1fa: {  	v5 =	vld [tilespmem:$0x3240]  }
0x1fb: {  	v6 =	vsub.f32 v40, v4  }
0x1fc: {  	v41 =	vld [tilespmem:$0x3540]  }
0x1fd: {  	v6 =	vmul.f32 v6, v3;
	_ =	sdelay $0x1  }
0x1fe: {  	v5 =	vmul.f32 v6, v5  }
0x1ff: {  	v42 =	vld [tilespmem:s30+$0x46D0]  }
0x200: {  	v5 =	vadd.f32 v5, v41;
	_ =	sdelay $0x1  }
0x201: {  	[tilespmem:s30+$0x46C0] =	vst v5  }
0x202: {  	v5 =	vld [tilespmem:$0x3250]  }
0x203: {  	v6 =	vsub.f32 v42, v4  }
0x204: {  	v43 =	vld [tilespmem:$0x3550]  }
0x205: {  	v6 =	vmul.f32 v6, v3;
	_ =	sdelay $0x1  }
0x206: {  	v5 =	vmul.f32 v6, v5  }
0x207: {  	v44 =	vld [tilespmem:s30+$0x46E0]  }
0x208: {  	v5 =	vadd.f32 v5, v43;
	_ =	sdelay $0x1  }
0x209: {  	[tilespmem:s30+$0x46D0] =	vst v5  }
0x20a: {  	v5 =	vld [tilespmem:$0x3260]  }
0x20b: {  	v6 =	vsub.f32 v44, v4  }
0x20c: {  	v45 =	vld [tilespmem:$0x3560]  }
0x20d: {  	v6 =	vmul.f32 v6, v3;
	_ =	sdelay $0x1  }
0x20e: {  	v5 =	vmul.f32 v6, v5  }
0x20f: {  	v46 =	vld [tilespmem:s30+$0x46F0]  }
0x210: {  	v5 =	vadd.f32 v5, v45;
	_ =	sdelay $0x1  }
0x211: {  	[tilespmem:s30+$0x46E0] =	vst v5  }
0x212: {  	v5 =	vld [tilespmem:$0x3270]  }
0x213: {  	v6 =	vsub.f32 v46, v4  }
0x214: {  	v47 =	vld [tilespmem:$0x3570]  }
0x215: {  	v6 =	vmul.f32 v6, v3;
	_ =	sdelay $0x1  }
0x216: {  	v5 =	vmul.f32 v6, v5  }
0x217: {  	v48 =	vld [tilespmem:s30+$0x4A80]  }
0x218: {  	v5 =	vadd.f32 v5, v47;
	_ =	sdelay $0x1  }
0x219: {  	[tilespmem:s30+$0x46F0] =	vst v5  }
0x21a: {  	v5 =	vld [tilespmem:$0x3280]  }
0x21b: {  	v6 =	vsub.f32 v48, v4  }
0x21c: {  	v49 =	vld [tilespmem:$0x3580]  }
0x21d: {  	v6 =	vmul.f32 v6, v3;
	_ =	sdelay $0x1  }
0x21e: {  	v5 =	vmul.f32 v6, v5  }
0x21f: {  	v50 =	vld [tilespmem:s30+$0x4A90]  }
0x220: {  	v5 =	vadd.f32 v5, v49;
	_ =	sdelay $0x1  }
0x221: {  	[tilespmem:s30+$0x4A80] =	vst v5  }
0x222: {  	v5 =	vld [tilespmem:$0x3290]  }
0x223: {  	v6 =	vsub.f32 v50, v4  }
0x224: {  	v51 =	vld [tilespmem:$0x3590]  }
0x225: {  	v6 =	vmul.f32 v6, v3;
	_ =	sdelay $0x1  }
0x226: {  	v5 =	vmul.f32 v6, v5  }
0x227: {  	v52 =	vld [tilespmem:s30+$0x4AA0]  }
0x228: {  	v5 =	vadd.f32 v5, v51;
	_ =	sdelay $0x1  }
0x229: {  	[tilespmem:s30+$0x4A90] =	vst v5  }
0x22a: {  	v5 =	vld [tilespmem:$0x32A0]  }
0x22b: {  	v6 =	vsub.f32 v52, v4  }
0x22c: {  	v53 =	vld [tilespmem:$0x35A0]  }
0x22d: {  	v6 =	vmul.f32 v6, v3;
	_ =	sdelay $0x1  }
0x22e: {  	v5 =	vmul.f32 v6, v5  }
0x22f: {  	v54 =	vld [tilespmem:s30+$0x4AB0]  }
0x230: {  	v5 =	vadd.f32 v5, v53;
	_ =	sdelay $0x1  }
0x231: {  	[tilespmem:s30+$0x4AA0] =	vst v5  }
0x232: {  	v5 =	vld [tilespmem:$0x32B0]  }
0x233: {  	v6 =	vsub.f32 v54, v4  }
0x234: {  	v55 =	vld [tilespmem:$0x35B0]  }
0x235: {  	v6 =	vmul.f32 v6, v3;
	_ =	sdelay $0x1  }
0x236: {  	v5 =	vmul.f32 v6, v5  }
0x237: {  	v56 =	vld [tilespmem:s30+$0x4AC0]  }
0x238: {  	v5 =	vadd.f32 v5, v55;
	_ =	sdelay $0x1  }
0x239: {  	[tilespmem:s30+$0x4AB0] =	vst v5  }
0x23a: {  	v5 =	vld [tilespmem:$0x32C0]  }
0x23b: {  	v6 =	vsub.f32 v56, v4  }
0x23c: {  	v57 =	vld [tilespmem:$0x35C0]  }
0x23d: {  	v6 =	vmul.f32 v6, v3;
	_ =	sdelay $0x1  }
0x23e: {  	v5 =	vmul.f32 v6, v5  }
0x23f: {  	v58 =	vld [tilespmem:s30+$0x4AD0]  }
0x240: {  	v5 =	vadd.f32 v5, v57;
	_ =	sdelay $0x1  }
0x241: {  	[tilespmem:s30+$0x4AC0] =	vst v5  }
0x242: {  	v5 =	vld [tilespmem:$0x32D0]  }
0x243: {  	v6 =	vsub.f32 v58, v4  }
0x244: {  	v59 =	vld [tilespmem:$0x35D0]  }
0x245: {  	v6 =	vmul.f32 v6, v3;
	_ =	sdelay $0x1  }
0x246: {  	v5 =	vmul.f32 v6, v5  }
0x247: {  	v60 =	vld [tilespmem:s30+$0x4AE0]  }
0x248: {  	v5 =	vadd.f32 v5, v59;
	_ =	sdelay $0x1  }
0x249: {  	[tilespmem:s30+$0x4AD0] =	vst v5  }
0x24a: {  	v5 =	vld [tilespmem:$0x32E0]  }
0x24b: {  	v6 =	vsub.f32 v60, v4  }
0x24c: {  	v61 =	vld [tilespmem:$0x35E0]  }
0x24d: {  	v6 =	vmul.f32 v6, v3;
	_ =	sdelay $0x1  }
0x24e: {  	v5 =	vmul.f32 v6, v5  }
0x24f: {  	v62 =	vld [tilespmem:s30+$0x4AF0]  }
0x250: {  	v5 =	vadd.f32 v5, v61;
	_ =	sdelay $0x1  }
0x251: {  	[tilespmem:s30+$0x4AE0] =	vst v5  }
0x252: {  	v5 =	vld [tilespmem:$0x32F0]  }
0x253: {  	v4 =	vsub.f32 v62, v4  }
0x254: {  	v63 =	vld [tilespmem:$0x35F0]  }
0x255: {  	v3 =	vmul.f32 v4, v3  }
0x256: {  	p0 =	sne.s32 s29, $0xF  }
.Ltmp0:
0x257: {  	v3 =	vmul.f32 v3, v5;
	(pc) =	sbr.rel @p0 .LBB2_3-.Ltmp0, $3  }
0x258: {  	_ = 	snop  }
0x259: {  	v3 =	vadd.f32 v3, v63;
	_ =	sdelay $0x1  }
0x25a: {  	s28 =	sadd.s32 $0x80, s28;
	s29 =	sadd.s32 $0x1, s29;
	[tilespmem:s30+$0x4AF0] =	vst v3  }
0x25b: {  	s1 =	smul.u32 $0x300, s26;
	s25 =	sadd.s32 $0x1, s25  }
0x25c: {  	p0 =	sne.s32 s25, $0x80  }
.Ltmp1:
0x25d: {  	s1 =	sadd.s32 s5, s1;
	(pc) =	sbr.rel @p0 .LBB2_2-.Ltmp1, $4  }
0x25e: {  	[hbm4b:s1+s7] =	stream.linear.scatter [tilespmem:s17], [sflag:$0x2], $0x3000, $0x38;
	[tilespmem:$0x6680] =	vst v63  }
0x25f: {  	_ =	swait.ge [sflag:s13], $0x3000  }
0x260: {  	[sflag:s13] =	ssyncset.done $0x0  }
0x261: {  	[sflag:s13] =	ssyncadd.s32 $0xFFFFD000  }
0x262: {  	s24 =	sadd.s32 $0x1, s24  }
0x263: {  	p0 =	sne.s32 s24, s12  }
.Ltmp2:
0x264: {  	_ = 	snop;
	(pc) =	sbr.rel @p0 .LBB2_1-.Ltmp2, $1  }
0x265: {  	_ =	sdelay $0x3  }
0x266: {  	_ =	sfence.sel $0x180000  }
0x267: {  	[bflag:$0x0] =	sbarrier.arrive $0xFFFF  }
0x268: {  	_ =	strace $0x90000047  }
0x269: {  	s0 =	stileid.u32;
	[bflag:$0x2] =	sbarrier.arrive $0xFFFF  }
0x26a: {  	p0 =	sne.s32 s0, $0x0;
	s0 =	rddreg [dreg:$0x6]  }
0x26b: {  	s0 =	sadd.s32 @!p0 $0x100000, s0  }
0x26c: {  	[sflag:s0] =	ssyncadd.tile.s32 @!p0 $0x1;
	_ =	shalt  }
.Lfunc_end2:
_tile_overlayer_lowered:
.L_overlay_start_2:
0x26d: {  	(tag) =	ssettag $0x2  }
0x26e: {  	s0 =	rddreg [dreg:$0x0];
	s2 =	stileid.u32  }
0x26f: {  	s1 =	rddreg [dreg:$0x1];
	p0 =	sne.s32 s2, $0x0  }
0x270: {  	s3 =	rddreg [dreg:$0x2];
	[bflag:$0x3] =	sbarrier.arrive $0xFFFF;
	s2 =	simm.s32 @!p0 $0x1C02  }
0x271: {  	[timem:s3], [sflag:s2] =	dma.local @!p0 [hbm:s0], s1  }
0x272: {  	s0 =	simm.s32 @!p0 $0x2  }
0x273: {  	_ =	swait.ge @!p0 [sflag:s0], s1  }
0x274: {  	s1 =	ssub.s32 @!p0 $0x0, s1;
	[sflag:s0] =	ssyncset.done @!p0 $0x0  }
0x275: {  	[sflag:s0] =	ssyncadd.s32 @!p0 s1  }
0x276: {  	[bflag:$0x3] =	sbarrier.arrive $0xFFFF  }
0x277: {  	_ =	shalt  }

</sc_bundles>
